<compile_context>
chip_gen: v7x
topology: tpu7x:2x2x1
jax: 0.10.2.dev20260603
libtpu: 0.0.44.dev20260713+nightly
codegen_flags: <defaults>
</compile_context>

<pallas_src>
import jax
import jax.numpy as jnp
from jax import lax
from jax.experimental import pallas as pl
from jax.experimental.pallas import tpu as pltpu
from jax.experimental.pallas import tpu_sc as plsc

N_NODES = 100000
N_EDGES = 3200000
D = 16
B = 128
K = 14
C = K * B
N_SUBCORES = 16
IDX_ROWS = N_EDGES // B
IR_PER_TILE = 1568
IR_LAST_TILE = IDX_ROWS - 15 * IR_PER_TILE
CHUNKS = IR_PER_TILE // K
CHUNKS_LAST = IR_LAST_TILE // K
K_TAIL = IR_LAST_TILE - CHUNKS_LAST * K
NODES_PER_TILE = 6256
NODES_LAST_TILE = N_NODES - 15 * NODES_PER_TILE


def _body(emb_hbm, eidx_hbm, hout_hbm, hin_hbm, rows_v, idx_v, acc, sem):
    cid = lax.axis_index("c")
    sid = lax.axis_index("s")

    def _zero(i, _):
        rows_v[i] = jnp.zeros((D,), jnp.float32)
        return 0

    lax.fori_loop(0, C, _zero, 0)
    n0 = sid * NODES_PER_TILE
    for k in range(NODES_PER_TILE // C):
        pltpu.sync_copy(rows_v, acc.at[pl.ds(n0 + k * C, C)])
    _full = (NODES_PER_TILE // C) * C

    @pl.when(sid < 15)
    def _():
        pltpu.sync_copy(rows_v.at[pl.ds(0, NODES_PER_TILE - _full)],
                        acc.at[pl.ds(n0 + _full, NODES_PER_TILE - _full)])

    @pl.when(sid == 15)
    def _():
        pltpu.sync_copy(rows_v.at[pl.ds(0, NODES_LAST_TILE - _full)],
                        acc.at[pl.ds(n0 + _full, NODES_LAST_TILE - _full)])

    plsc.subcore_barrier()

    i_base = sid * IR_PER_TILE
    e_base = i_base * B
    n_chunks = jnp.where(sid < 15, CHUNKS, CHUNKS_LAST)

    def _chunk(ci, _):
        ld_rows = pltpu.async_copy(emb_hbm.at[pl.ds(e_base + ci * C, C)],
                                   rows_v, sem)
        ld_idx = pltpu.async_copy(eidx_hbm.at[cid, pl.ds(i_base + ci * K, K)],
                                  idx_v, sem)
        ld_rows.wait()
        ld_idx.wait()
        descs = [
            pltpu.async_copy(rows_v.at[pl.ds(j * B, B)],
                             acc.at[idx_v.at[j]], sem, add=True)
            for j in range(K)
        ]
        for d in descs:
            d.wait()
        return 0

    lax.fori_loop(0, n_chunks, _chunk, 0)

    @pl.when(sid == 15)
    def _():
        t0 = i_base + CHUNKS_LAST * K
        ld_rows = pltpu.async_copy(emb_hbm.at[pl.ds(t0 * B, K_TAIL * B)],
                                   rows_v.at[pl.ds(0, K_TAIL * B)], sem)
        ld_idx = pltpu.async_copy(eidx_hbm.at[cid, pl.ds(t0, K_TAIL)],
                                  idx_v.at[pl.ds(0, K_TAIL)], sem)
        ld_rows.wait()
        ld_idx.wait()
        descs = [
            pltpu.async_copy(rows_v.at[pl.ds(j * B, B)],
                             acc.at[idx_v.at[j]], sem, add=True)
            for j in range(K_TAIL)
        ]
        for d in descs:
            d.wait()

    plsc.subcore_barrier()

    out_hbm_sel = [hout_hbm, hin_hbm]
    for core in (0, 1):
        @pl.when(cid == core)
        def _(out=out_hbm_sel[core]):
            @pl.when(sid < 15)
            def _():
                pltpu.sync_copy(acc.at[pl.ds(n0, NODES_PER_TILE)],
                                out.at[pl.ds(n0, NODES_PER_TILE)])

            @pl.when(sid == 15)
            def _():
                pltpu.sync_copy(acc.at[pl.ds(n0, NODES_LAST_TILE)],
                                out.at[pl.ds(n0, NODES_LAST_TILE)])


@jax.jit
def _segment_sums(edge_embedding, eidx3):
    mesh = plsc.VectorSubcoreMesh(core_axis_name="c", subcore_axis_name="s")
    f = pl.kernel(
        _body,
        out_type=[
            jax.ShapeDtypeStruct((N_NODES, D), jnp.float32),
            jax.ShapeDtypeStruct((N_NODES, D), jnp.float32),
        ],
        mesh=mesh,
        scratch_types=[
            pltpu.VMEM((C, D), jnp.float32),
            pltpu.VMEM((K, B), jnp.int32),
            pltpu.VMEM_SHARED((N_NODES, D), jnp.float32),
            pltpu.SemaphoreType.DMA,
        ],
        compiler_params=pltpu.CompilerParams(use_tc_tiling_on_sc=False),
    )
    return f(edge_embedding, eidx3)


def kernel(edge_embedding, edge_index, coords):
    eidx3 = edge_index.reshape(2, IDX_ROWS, B)
    h_out, h_in = _segment_sums(edge_embedding, eidx3)
    return jnp.concatenate([h_out, h_in, coords], axis=1)

# --- scband reference (transcript-rebuilt; emitter-appended) ---
"""Pipeline reference for scband-odnode-initializer-2448131359402 (READ-ONLY COPY).

The authoritative reference and input builder live on the scoring server;
editing this copy changes nothing except your own understanding.
"""

import jax, jax.numpy as jnp
import numpy as np

N_NODES = 100000
N_EDGES = 3200000
EDGE_DIM = 16
COORD_DIM = 3


def setup_inputs(seed: int = 0) -> dict:
    key = jax.random.key(seed)
    k1, k2, k3 = jax.random.split(key, 3)
    edge_embedding = jax.random.normal(k1, (N_EDGES, EDGE_DIM), dtype=jnp.float32)
    edge_index = jax.random.randint(k2, (2, N_EDGES), 0, N_NODES, dtype=jnp.int32)
    coords = jax.random.normal(k3, (N_NODES, COORD_DIM), dtype=jnp.float32)
    return {"edge_embedding": edge_embedding, "edge_index": edge_index, "coords": coords}


def reference(edge_embedding, edge_index, coords):
    # Faithful translation of ODNodeInitializer.forward (x must be None):
    # 1. scatter-sum edge embeddings by source node -> H_out
    # 2. scatter-sum edge embeddings by target node -> H_in
    # 3. concat [H_out, H_in, coords] -> node features [N, 2*edge_dim + coord_dim]
    num_nodes = coords.shape[0]
    H_out = jax.ops.segment_sum(edge_embedding, edge_index[0], num_segments=num_nodes)
    H_in = jax.ops.segment_sum(edge_embedding, edge_index[1], num_segments=num_nodes)
    H_node = jnp.concatenate([H_out, H_in, coords], axis=1)
    return H_node

if __name__ == "__main__":
    import jax
    _d = setup_inputs()
    print(jax.jit(kernel)(*tuple(_d.values())))

</pallas_src>

<mosaic_0001>
#map = affine_map<(d0, d1) -> (0, 0)>
#map1 = affine_map<(d0, d1) -> (0, 0, 0)>
module attributes {stable_mosaic.version = 14 : i64} {
  func.func @_body(%arg0: i32, %arg1: i32, %arg2: memref<3200000x16xf32, #tpu.memory_space<hbm>>, %arg3: memref<2x25000x128xi32, #tpu.memory_space<hbm>>, %arg4: memref<100000x16xf32, #tpu.memory_space<hbm>>, %arg5: memref<100000x16xf32, #tpu.memory_space<hbm>>, %arg6: memref<1792x16xf32, #tpu.memory_space<vmem>>, %arg7: memref<14x128xi32, #tpu.memory_space<vmem>>, %arg8: memref<100000x16xf32, #tpu.memory_space<vmem_shared>>, %arg9: memref<!tpu.dma_semaphore, #tpu.memory_space<semaphore_mem>>) attributes {dimension_semantics = [#tpu.dimension_semantics<core_parallel>, #tpu.dimension_semantics<subcore_parallel>], iteration_bounds = array<i64: 2, 16>, scalar_prefetch = 0 : i64, scratch_operands = 4 : i64, tpu.core_type = #tpu.core_type<sc_vector_subcore>, window_params = [{transform_indices = #map}, {transform_indices = #map1}, {transform_indices = #map}, {transform_indices = #map}]} {
    %scan3A = arith.constant 0 : i32
    %scan3A_0 = arith.constant 0 : i32
    %scan3A_1 = arith.constant 1792 : i32
    %scan3A_2 = arith.addi %scan3A_0, %scan3A_1 : i32
    %scan3A_3 = arith.constant 1 : i32
    %scan3A_4 = scf.for %scan3A_52 = %scan3A_0 to %scan3A_2 step %scan3A_3 iter_args(%scan3A_53 = %scan3A) -> (i32)  : i32 {
      %broadcast_in_dim3A = arith.constant 0.000000e+00 : f32
      %broadcast_in_dim3A_54 = vector.broadcast %broadcast_in_dim3A : f32 to vector<16xf32>
      %swap3A = arith.index_cast %scan3A_52 : i32 to index
      %swap3A_55 = arith.constant 0 : index
      %swap3A_56 = tpu.vector_load %arg6[%swap3A, %swap3A_55] {strides = array<i32>} : memref<1792x16xf32, #tpu.memory_space<vmem>>, vector<1x16xf32>,
      %swap3A_57 = vector.shape_cast %swap3A_56 : vector<1x16xf32> to vector<16xf32>
      %swap3A_58 = vector.shape_cast %broadcast_in_dim3A_54 : vector<16xf32> to vector<1x16xf32>
      tpu.vector_store %arg6[%swap3A, %swap3A_55], %swap3A_58 {strides = array<i32>} : memref<1792x16xf32, #tpu.memory_space<vmem>>, vector<1x16xf32>,
      %scan3A_59 = arith.constant 0 : i32
      scf.yield %scan3A_59 : i32
    }
    %scan3A_5 = arith.constant 1792 : i32
    %mul3A = arith.constant 6256 : i32
    %mul3A_6 = arith.muli %arg1, %mul3A : i32
    %add3A = arith.constant 0 : i32
    %add3A_7 = arith.addi %mul3A_6, %add3A : i32
    "tpu.region"() ({
      %run_scoped3A = tpu.sem_alloc : memref<!tpu.dma_semaphore, #tpu.memory_space<semaphore_mem>>
      %dma_start3A = arith.constant 0 : i32
      %dma_start3A_52 = tpu.memref_slice %arg8[%add3A_7, %dma_start3A] : memref<100000x16xf32, #tpu.memory_space<vmem_shared>> -> memref<1792x16xf32, #tpu.memory_space<vmem_shared>>
      %dma_start3A_53 = arith.constant 0 : i32
      %dma_start3A_54 = tpu.memref_slice %arg8[%add3A_7, %dma_start3A_53] : memref<100000x16xf32, #tpu.memory_space<vmem_shared>> -> memref<1792x16xf32, #tpu.memory_space<vmem_shared>>
      tpu.enqueue_dma source(%arg6 : memref<1792x16xf32, #tpu.memory_space<vmem>>) target(%dma_start3A_54 : memref<1792x16xf32, #tpu.memory_space<vmem_shared>>) target_semaphore(%run_scoped3A : memref<!tpu.dma_semaphore, #tpu.memory_space<semaphore_mem>>)
      %dma_wait3A = arith.constant 0 : i32
      %dma_wait3A_55 = tpu.memref_slice %arg8[%add3A_7, %dma_wait3A] : memref<100000x16xf32, #tpu.memory_space<vmem_shared>> -> memref<1792x16xf32, #tpu.memory_space<vmem_shared>>
      %dma_wait3A_56 = arith.constant 0 : i32
      %dma_wait3A_57 = tpu.memref_slice %arg8[%add3A_7, %dma_wait3A_56] : memref<100000x16xf32, #tpu.memory_space<vmem_shared>> -> memref<1792x16xf32, #tpu.memory_space<vmem_shared>>
      tpu.wait_dma2 semaphore(%run_scoped3A : memref<!tpu.dma_semaphore, #tpu.memory_space<semaphore_mem>>) src(%arg6 : memref<1792x16xf32, #tpu.memory_space<vmem>>) dst(%dma_wait3A_57 : memref<1792x16xf32, #tpu.memory_space<vmem_shared>>)
      tpu.yield
    }) : () -> ()
    %add3A_8 = arith.constant 1792 : i32
    %add3A_9 = arith.addi %mul3A_6, %add3A_8 : i32
    "tpu.region"() ({
      %run_scoped3A = tpu.sem_alloc : memref<!tpu.dma_semaphore, #tpu.memory_space<semaphore_mem>>
      %dma_start3A = arith.constant 0 : i32
      %dma_start3A_52 = tpu.memref_slice %arg8[%add3A_9, %dma_start3A] : memref<100000x16xf32, #tpu.memory_space<vmem_shared>> -> memref<1792x16xf32, #tpu.memory_space<vmem_shared>>
      %dma_start3A_53 = arith.constant 0 : i32
      %dma_start3A_54 = tpu.memref_slice %arg8[%add3A_9, %dma_start3A_53] : memref<100000x16xf32, #tpu.memory_space<vmem_shared>> -> memref<1792x16xf32, #tpu.memory_space<vmem_shared>>
      tpu.enqueue_dma source(%arg6 : memref<1792x16xf32, #tpu.memory_space<vmem>>) target(%dma_start3A_54 : memref<1792x16xf32, #tpu.memory_space<vmem_shared>>) target_semaphore(%run_scoped3A : memref<!tpu.dma_semaphore, #tpu.memory_space<semaphore_mem>>)
      %dma_wait3A = arith.constant 0 : i32
      %dma_wait3A_55 = tpu.memref_slice %arg8[%add3A_9, %dma_wait3A] : memref<100000x16xf32, #tpu.memory_space<vmem_shared>> -> memref<1792x16xf32, #tpu.memory_space<vmem_shared>>
      %dma_wait3A_56 = arith.constant 0 : i32
      %dma_wait3A_57 = tpu.memref_slice %arg8[%add3A_9, %dma_wait3A_56] : memref<100000x16xf32, #tpu.memory_space<vmem_shared>> -> memref<1792x16xf32, #tpu.memory_space<vmem_shared>>
      tpu.wait_dma2 semaphore(%run_scoped3A : memref<!tpu.dma_semaphore, #tpu.memory_space<semaphore_mem>>) src(%arg6 : memref<1792x16xf32, #tpu.memory_space<vmem>>) dst(%dma_wait3A_57 : memref<1792x16xf32, #tpu.memory_space<vmem_shared>>)
      tpu.yield
    }) : () -> ()
    %add3A_10 = arith.constant 3584 : i32
    %add3A_11 = arith.addi %mul3A_6, %add3A_10 : i32
    "tpu.region"() ({
      %run_scoped3A = tpu.sem_alloc : memref<!tpu.dma_semaphore, #tpu.memory_space<semaphore_mem>>
      %dma_start3A = arith.constant 0 : i32
      %dma_start3A_52 = tpu.memref_slice %arg8[%add3A_11, %dma_start3A] : memref<100000x16xf32, #tpu.memory_space<vmem_shared>> -> memref<1792x16xf32, #tpu.memory_space<vmem_shared>>
      %dma_start3A_53 = arith.constant 0 : i32
      %dma_start3A_54 = tpu.memref_slice %arg8[%add3A_11, %dma_start3A_53] : memref<100000x16xf32, #tpu.memory_space<vmem_shared>> -> memref<1792x16xf32, #tpu.memory_space<vmem_shared>>
      tpu.enqueue_dma source(%arg6 : memref<1792x16xf32, #tpu.memory_space<vmem>>) target(%dma_start3A_54 : memref<1792x16xf32, #tpu.memory_space<vmem_shared>>) target_semaphore(%run_scoped3A : memref<!tpu.dma_semaphore, #tpu.memory_space<semaphore_mem>>)
      %dma_wait3A = arith.constant 0 : i32
      %dma_wait3A_55 = tpu.memref_slice %arg8[%add3A_11, %dma_wait3A] : memref<100000x16xf32, #tpu.memory_space<vmem_shared>> -> memref<1792x16xf32, #tpu.memory_space<vmem_shared>>
      %dma_wait3A_56 = arith.constant 0 : i32
      %dma_wait3A_57 = tpu.memref_slice %arg8[%add3A_11, %dma_wait3A_56] : memref<100000x16xf32, #tpu.memory_space<vmem_shared>> -> memref<1792x16xf32, #tpu.memory_space<vmem_shared>>
      tpu.wait_dma2 semaphore(%run_scoped3A : memref<!tpu.dma_semaphore, #tpu.memory_space<semaphore_mem>>) src(%arg6 : memref<1792x16xf32, #tpu.memory_space<vmem>>) dst(%dma_wait3A_57 : memref<1792x16xf32, #tpu.memory_space<vmem_shared>>)
      tpu.yield
    }) : () -> ()
    %lt3A = arith.constant 15 : i32
    %lt3A_12 = arith.cmpi slt, %arg1, %lt3A : i32
    %convert_element_type3A = arith.extui %lt3A_12 : i1 to i32
    %cond3A = arith.constant 0 : i32
    %cond3A_13 = arith.cmpi ne, %convert_element_type3A, %cond3A : i32
    scf.if %cond3A_13 {
      %add3A_52 = arith.constant 5376 : i32
      %add3A_53 = arith.addi %mul3A_6, %add3A_52 : i32
      "tpu.region"() ({
        %run_scoped3A = tpu.sem_alloc : memref<!tpu.dma_semaphore, #tpu.memory_space<semaphore_mem>>
        %dma_start3A = arith.constant 0 : i32
        %dma_start3A_54 = arith.constant 0 : i32
        %dma_start3A_55 = tpu.memref_slice %arg6[%dma_start3A, %dma_start3A_54] : memref<1792x16xf32, #tpu.memory_space<vmem>> -> memref<880x16xf32, #tpu.memory_space<vmem>>
        %dma_start3A_56 = arith.constant 0 : i32
        %dma_start3A_57 = tpu.memref_slice %arg8[%add3A_53, %dma_start3A_56] : memref<100000x16xf32, #tpu.memory_space<vmem_shared>> -> memref<880x16xf32, #tpu.memory_space<vmem_shared>>
        %dma_start3A_58 = arith.constant 0 : i32
        %dma_start3A_59 = tpu.memref_slice %arg8[%add3A_53, %dma_start3A_58] : memref<100000x16xf32, #tpu.memory_space<vmem_shared>> -> memref<880x16xf32, #tpu.memory_space<vmem_shared>>
        %dma_start3A_60 = arith.constant 0 : i32
        %dma_start3A_61 = arith.constant 0 : i32
        %dma_start3A_62 = tpu.memref_slice %arg6[%dma_start3A_60, %dma_start3A_61] : memref<1792x16xf32, #tpu.memory_space<vmem>> -> memref<880x16xf32, #tpu.memory_space<vmem>>
        tpu.enqueue_dma source(%dma_start3A_62 : memref<880x16xf32, #tpu.memory_space<vmem>>) target(%dma_start3A_59 : memref<880x16xf32, #tpu.memory_space<vmem_shared>>) target_semaphore(%run_scoped3A : memref<!tpu.dma_semaphore, #tpu.memory_space<semaphore_mem>>)
        %dma_wait3A = arith.constant 0 : i32
        %dma_wait3A_63 = arith.constant 0 : i32
        %dma_wait3A_64 = tpu.memref_slice %arg6[%dma_wait3A, %dma_wait3A_63] : memref<1792x16xf32, #tpu.memory_space<vmem>> -> memref<880x16xf32, #tpu.memory_space<vmem>>
        %dma_wait3A_65 = arith.constant 0 : i32
        %dma_wait3A_66 = tpu.memref_slice %arg8[%add3A_53, %dma_wait3A_65] : memref<100000x16xf32, #tpu.memory_space<vmem_shared>> -> memref<880x16xf32, #tpu.memory_space<vmem_shared>>
        %dma_wait3A_67 = arith.constant 0 : i32
        %dma_wait3A_68 = tpu.memref_slice %arg8[%add3A_53, %dma_wait3A_67] : memref<100000x16xf32, #tpu.memory_space<vmem_shared>> -> memref<880x16xf32, #tpu.memory_space<vmem_shared>>
        %dma_wait3A_69 = arith.constant 0 : i32
        %dma_wait3A_70 = arith.constant 0 : i32
        %dma_wait3A_71 = tpu.memref_slice %arg6[%dma_wait3A_69, %dma_wait3A_70] : memref<1792x16xf32, #tpu.memory_space<vmem>> -> memref<880x16xf32, #tpu.memory_space<vmem>>
        tpu.wait_dma2 semaphore(%run_scoped3A : memref<!tpu.dma_semaphore, #tpu.memory_space<semaphore_mem>>) src(%dma_wait3A_71 : memref<880x16xf32, #tpu.memory_space<vmem>>) dst(%dma_wait3A_68 : memref<880x16xf32, #tpu.memory_space<vmem_shared>>)
        tpu.yield
      }) : () -> ()
    } else {
    }
    %eq3A = arith.constant 15 : i32
    %eq3A_14 = arith.cmpi eq, %arg1, %eq3A : i32
    %convert_element_type3A_15 = arith.extui %eq3A_14 : i1 to i32
    %cond3A_16 = arith.constant 0 : i32
    %cond3A_17 = arith.cmpi ne, %convert_element_type3A_15, %cond3A_16 : i32
    scf.if %cond3A_17 {
      %add3A_52 = arith.constant 5376 : i32
      %add3A_53 = arith.addi %mul3A_6, %add3A_52 : i32
      "tpu.region"() ({
        %run_scoped3A = tpu.sem_alloc : memref<!tpu.dma_semaphore, #tpu.memory_space<semaphore_mem>>
        %dma_start3A = arith.constant 0 : i32
        %dma_start3A_54 = arith.constant 0 : i32
        %dma_start3A_55 = tpu.memref_slice %arg6[%dma_start3A, %dma_start3A_54] : memref<1792x16xf32, #tpu.memory_space<vmem>> -> memref<784x16xf32, #tpu.memory_space<vmem>>
        %dma_start3A_56 = arith.constant 0 : i32
        %dma_start3A_57 = tpu.memref_slice %arg8[%add3A_53, %dma_start3A_56] : memref<100000x16xf32, #tpu.memory_space<vmem_shared>> -> memref<784x16xf32, #tpu.memory_space<vmem_shared>>
        %dma_start3A_58 = arith.constant 0 : i32
        %dma_start3A_59 = tpu.memref_slice %arg8[%add3A_53, %dma_start3A_58] : memref<100000x16xf32, #tpu.memory_space<vmem_shared>> -> memref<784x16xf32, #tpu.memory_space<vmem_shared>>
        %dma_start3A_60 = arith.constant 0 : i32
        %dma_start3A_61 = arith.constant 0 : i32
        %dma_start3A_62 = tpu.memref_slice %arg6[%dma_start3A_60, %dma_start3A_61] : memref<1792x16xf32, #tpu.memory_space<vmem>> -> memref<784x16xf32, #tpu.memory_space<vmem>>
        tpu.enqueue_dma source(%dma_start3A_62 : memref<784x16xf32, #tpu.memory_space<vmem>>) target(%dma_start3A_59 : memref<784x16xf32, #tpu.memory_space<vmem_shared>>) target_semaphore(%run_scoped3A : memref<!tpu.dma_semaphore, #tpu.memory_space<semaphore_mem>>)
        %dma_wait3A = arith.constant 0 : i32
        %dma_wait3A_63 = arith.constant 0 : i32
        %dma_wait3A_64 = tpu.memref_slice %arg6[%dma_wait3A, %dma_wait3A_63] : memref<1792x16xf32, #tpu.memory_space<vmem>> -> memref<784x16xf32, #tpu.memory_space<vmem>>
        %dma_wait3A_65 = arith.constant 0 : i32
        %dma_wait3A_66 = tpu.memref_slice %arg8[%add3A_53, %dma_wait3A_65] : memref<100000x16xf32, #tpu.memory_space<vmem_shared>> -> memref<784x16xf32, #tpu.memory_space<vmem_shared>>
        %dma_wait3A_67 = arith.constant 0 : i32
        %dma_wait3A_68 = tpu.memref_slice %arg8[%add3A_53, %dma_wait3A_67] : memref<100000x16xf32, #tpu.memory_space<vmem_shared>> -> memref<784x16xf32, #tpu.memory_space<vmem_shared>>
        %dma_wait3A_69 = arith.constant 0 : i32
        %dma_wait3A_70 = arith.constant 0 : i32
        %dma_wait3A_71 = tpu.memref_slice %arg6[%dma_wait3A_69, %dma_wait3A_70] : memref<1792x16xf32, #tpu.memory_space<vmem>> -> memref<784x16xf32, #tpu.memory_space<vmem>>
        tpu.wait_dma2 semaphore(%run_scoped3A : memref<!tpu.dma_semaphore, #tpu.memory_space<semaphore_mem>>) src(%dma_wait3A_71 : memref<784x16xf32, #tpu.memory_space<vmem>>) dst(%dma_wait3A_68 : memref<784x16xf32, #tpu.memory_space<vmem_shared>>)
        tpu.yield
      }) : () -> ()
    } else {
    }
    %barrier3A = arith.constant 0 : index
    tpu.barrier barrier_id(%barrier3A)
    %mul3A_18 = arith.constant 1568 : i32
    %mul3A_19 = arith.muli %arg1, %mul3A_18 : i32
    %mul3A_20 = arith.constant 128 : i32
    %mul3A_21 = arith.muli %mul3A_19, %mul3A_20 : i32
    %lt3A_22 = arith.constant 15 : i32
    %lt3A_23 = arith.cmpi slt, %arg1, %lt3A_22 : i32
    %jit3A = arith.constant 112 : i32
    %jit3A_24 = arith.constant 105 : i32
    %select_n3A = arith.select %lt3A_23, %jit3A, %jit3A_24 : i32
    %while3A = arith.constant 0 : i32
    %while3A_25 = arith.constant 0 : i32
    %while3A_26 = arith.subi %select_n3A, %while3A : i32
    %while3A_27 = arith.addi %while3A, %while3A_26 : i32
    %while3A_28 = arith.constant 1 : i32
    %while3A_29 = arith.divsi %while3A_26, %while3A_28 : i32
    %while3A_30 = arith.muli %while3A_29, %while3A_28 : i32
    %while3A_31 = arith.addi %while3A, %while3A_30 : i32
    %while3A_32 = arith.constant 1 : i32
    %while3A_33 = scf.for %while3A_52 = %while3A to %while3A_31 step %while3A_32 iter_args(%while3A_53 = %while3A_25) -> (i32)  : i32 {
      %mul3A_54 = arith.constant 1792 : i32
      %mul3A_55 = arith.muli %while3A_52, %mul3A_54 : i32
      %add3A_56 = arith.addi %mul3A_21, %mul3A_55 : i32
      %dma_start3A = arith.constant 0 : i32
      %dma_start3A_57 = tpu.memref_slice %arg2[%add3A_56, %dma_start3A] : memref<3200000x16xf32, #tpu.memory_space<hbm>> -> memref<1792x16xf32, #tpu.memory_space<hbm>>
      %dma_start3A_58 = arith.constant 0 : i32
      %dma_start3A_59 = tpu.memref_slice %arg2[%add3A_56, %dma_start3A_58] : memref<3200000x16xf32, #tpu.memory_space<hbm>> -> memref<1792x16xf32, #tpu.memory_space<hbm>>
      tpu.enqueue_dma source(%dma_start3A_59 : memref<1792x16xf32, #tpu.memory_space<hbm>>) target(%arg6 : memref<1792x16xf32, #tpu.memory_space<vmem>>) target_semaphore(%arg9 : memref<!tpu.dma_semaphore, #tpu.memory_space<semaphore_mem>>)
      %mul3A_60 = arith.constant 14 : i32
      %mul3A_61 = arith.muli %while3A_52, %mul3A_60 : i32
      %add3A_62 = arith.addi %mul3A_19, %mul3A_61 : i32
      %dma_start3A_63 = arith.constant 0 : i32
      %dma_start3A_64 = tpu.memref_slice %arg3[%arg0, %add3A_62, %dma_start3A_63] : memref<2x25000x128xi32, #tpu.memory_space<hbm>> -> memref<1x14x128xi32, #tpu.memory_space<hbm>>
      %dma_start3A_65 = tpu.memref_squeeze %dma_start3A_64 : memref<1x14x128xi32, #tpu.memory_space<hbm>> -> memref<14x128xi32, #tpu.memory_space<hbm>>
      %dma_start3A_66 = arith.constant 0 : i32
      %dma_start3A_67 = tpu.memref_slice %arg3[%arg0, %add3A_62, %dma_start3A_66] : memref<2x25000x128xi32, #tpu.memory_space<hbm>> -> memref<1x14x128xi32, #tpu.memory_space<hbm>>
      %dma_start3A_68 = tpu.memref_squeeze %dma_start3A_67 : memref<1x14x128xi32, #tpu.memory_space<hbm>> -> memref<14x128xi32, #tpu.memory_space<hbm>>
      tpu.enqueue_dma source(%dma_start3A_68 : memref<14x128xi32, #tpu.memory_space<hbm>>) target(%arg7 : memref<14x128xi32, #tpu.memory_space<vmem>>) target_semaphore(%arg9 : memref<!tpu.dma_semaphore, #tpu.memory_space<semaphore_mem>>)
      %dma_wait3A = arith.constant 0 : i32
      %dma_wait3A_69 = tpu.memref_slice %arg2[%add3A_56, %dma_wait3A] : memref<3200000x16xf32, #tpu.memory_space<hbm>> -> memref<1792x16xf32, #tpu.memory_space<hbm>>
      %dma_wait3A_70 = arith.constant 0 : i32
      %dma_wait3A_71 = tpu.memref_slice %arg2[%add3A_56, %dma_wait3A_70] : memref<3200000x16xf32, #tpu.memory_space<hbm>> -> memref<1792x16xf32, #tpu.memory_space<hbm>>
      tpu.wait_dma2 semaphore(%arg9 : memref<!tpu.dma_semaphore, #tpu.memory_space<semaphore_mem>>) src(%dma_wait3A_71 : memref<1792x16xf32, #tpu.memory_space<hbm>>) dst(%arg6 : memref<1792x16xf32, #tpu.memory_space<vmem>>)
      %dma_wait3A_72 = arith.constant 0 : i32
      %dma_wait3A_73 = tpu.memref_slice %arg3[%arg0, %add3A_62, %dma_wait3A_72] : memref<2x25000x128xi32, #tpu.memory_space<hbm>> -> memref<1x14x128xi32, #tpu.memory_space<hbm>>
      %dma_wait3A_74 = tpu.memref_squeeze %dma_wait3A_73 : memref<1x14x128xi32, #tpu.memory_space<hbm>> -> memref<14x128xi32, #tpu.memory_space<hbm>>
      %dma_wait3A_75 = arith.constant 0 : i32
      %dma_wait3A_76 = tpu.memref_slice %arg3[%arg0, %add3A_62, %dma_wait3A_75] : memref<2x25000x128xi32, #tpu.memory_space<hbm>> -> memref<1x14x128xi32, #tpu.memory_space<hbm>>
      %dma_wait3A_77 = tpu.memref_squeeze %dma_wait3A_76 : memref<1x14x128xi32, #tpu.memory_space<hbm>> -> memref<14x128xi32, #tpu.memory_space<hbm>>
      tpu.wait_dma2 semaphore(%arg9 : memref<!tpu.dma_semaphore, #tpu.memory_space<semaphore_mem>>) src(%dma_wait3A_77 : memref<14x128xi32, #tpu.memory_space<hbm>>) dst(%arg7 : memref<14x128xi32, #tpu.memory_space<vmem>>)
      %dma_start3A_78 = arith.constant 0 : i32
      %dma_start3A_79 = arith.constant 0 : i32
      %dma_start3A_80 = arith.constant 0 : i32
      %dma_start3A_81 = tpu.memref_slice %arg6[%dma_start3A_79, %dma_start3A_80] : memref<1792x16xf32, #tpu.memory_space<vmem>> -> memref<128x16xf32, #tpu.memory_space<vmem>>
      %dma_start3A_82 = arith.constant 0 : i32
      %dma_start3A_83 = tpu.memref_slice %arg7[%dma_start3A_78, %dma_start3A_82] : memref<14x128xi32, #tpu.memory_space<vmem>> -> memref<1x128xi32, #tpu.memory_space<vmem>>
      %dma_start3A_84 = tpu.memref_squeeze %dma_start3A_83 : memref<1x128xi32, #tpu.memory_space<vmem>> -> memref<128xi32, #tpu.memory_space<vmem>>
      %dma_start3A_85 = arith.constant 0 : i32
      %dma_start3A_86 = arith.constant 0 : i32
      %dma_start3A_87 = tpu.memref_slice %arg8[%dma_start3A_85, %dma_start3A_86] : memref<100000x16xf32, #tpu.memory_space<vmem_shared>> -> memref<100000x16xf32, #tpu.memory_space<vmem_shared>>
      tpu.enqueue_indirect_dma source(%dma_start3A_81 : memref<128x16xf32, #tpu.memory_space<vmem>>) target(%dma_start3A_87 : memref<100000x16xf32, #tpu.memory_space<vmem_shared>>) offsets(%dma_start3A_84 : memref<128xi32, #tpu.memory_space<vmem>>) semaphore(%arg9 : memref<!tpu.dma_semaphore, #tpu.memory_space<semaphore_mem>>) {add = true}
      %dma_start3A_88 = arith.constant 1 : i32
      %dma_start3A_89 = arith.constant 128 : i32
      %dma_start3A_90 = arith.constant 0 : i32
      %dma_start3A_91 = tpu.memref_slice %arg6[%dma_start3A_89, %dma_start3A_90] : memref<1792x16xf32, #tpu.memory_space<vmem>> -> memref<128x16xf32, #tpu.memory_space<vmem>>
      %dma_start3A_92 = arith.constant 0 : i32
      %dma_start3A_93 = tpu.memref_slice %arg7[%dma_start3A_88, %dma_start3A_92] : memref<14x128xi32, #tpu.memory_space<vmem>> -> memref<1x128xi32, #tpu.memory_space<vmem>>
      %dma_start3A_94 = tpu.memref_squeeze %dma_start3A_93 : memref<1x128xi32, #tpu.memory_space<vmem>> -> memref<128xi32, #tpu.memory_space<vmem>>
      %dma_start3A_95 = arith.constant 0 : i32
      %dma_start3A_96 = arith.constant 0 : i32
      %dma_start3A_97 = tpu.memref_slice %arg8[%dma_start3A_95, %dma_start3A_96] : memref<100000x16xf32, #tpu.memory_space<vmem_shared>> -> memref<100000x16xf32, #tpu.memory_space<vmem_shared>>
      tpu.enqueue_indirect_dma source(%dma_start3A_91 : memref<128x16xf32, #tpu.memory_space<vmem>>) target(%dma_start3A_97 : memref<100000x16xf32, #tpu.memory_space<vmem_shared>>) offsets(%dma_start3A_94 : memref<128xi32, #tpu.memory_space<vmem>>) semaphore(%arg9 : memref<!tpu.dma_semaphore, #tpu.memory_space<semaphore_mem>>) {add = true}
      %dma_start3A_98 = arith.constant 2 : i32
      %dma_start3A_99 = arith.constant 256 : i32
      %dma_start3A_100 = arith.constant 0 : i32
      %dma_start3A_101 = tpu.memref_slice %arg6[%dma_start3A_99, %dma_start3A_100] : memref<1792x16xf32, #tpu.memory_space<vmem>> -> memref<128x16xf32, #tpu.memory_space<vmem>>
      %dma_start3A_102 = arith.constant 0 : i32
      %dma_start3A_103 = tpu.memref_slice %arg7[%dma_start3A_98, %dma_start3A_102] : memref<14x128xi32, #tpu.memory_space<vmem>> -> memref<1x128xi32, #tpu.memory_space<vmem>>
      %dma_start3A_104 = tpu.memref_squeeze %dma_start3A_103 : memref<1x128xi32, #tpu.memory_space<vmem>> -> memref<128xi32, #tpu.memory_space<vmem>>
      %dma_start3A_105 = arith.constant 0 : i32
      %dma_start3A_106 = arith.constant 0 : i32
      %dma_start3A_107 = tpu.memref_slice %arg8[%dma_start3A_105, %dma_start3A_106] : memref<100000x16xf32, #tpu.memory_space<vmem_shared>> -> memref<100000x16xf32, #tpu.memory_space<vmem_shared>>
      tpu.enqueue_indirect_dma source(%dma_start3A_101 : memref<128x16xf32, #tpu.memory_space<vmem>>) target(%dma_start3A_107 : memref<100000x16xf32, #tpu.memory_space<vmem_shared>>) offsets(%dma_start3A_104 : memref<128xi32, #tpu.memory_space<vmem>>) semaphore(%arg9 : memref<!tpu.dma_semaphore, #tpu.memory_space<semaphore_mem>>) {add = true}
      %dma_start3A_108 = arith.constant 3 : i32
      %dma_start3A_109 = arith.constant 384 : i32
      %dma_start3A_110 = arith.constant 0 : i32
      %dma_start3A_111 = tpu.memref_slice %arg6[%dma_start3A_109, %dma_start3A_110] : memref<1792x16xf32, #tpu.memory_space<vmem>> -> memref<128x16xf32, #tpu.memory_space<vmem>>
      %dma_start3A_112 = arith.constant 0 : i32
      %dma_start3A_113 = tpu.memref_slice %arg7[%dma_start3A_108, %dma_start3A_112] : memref<14x128xi32, #tpu.memory_space<vmem>> -> memref<1x128xi32, #tpu.memory_space<vmem>>
      %dma_start3A_114 = tpu.memref_squeeze %dma_start3A_113 : memref<1x128xi32, #tpu.memory_space<vmem>> -> memref<128xi32, #tpu.memory_space<vmem>>
      %dma_start3A_115 = arith.constant 0 : i32
      %dma_start3A_116 = arith.constant 0 : i32
      %dma_start3A_117 = tpu.memref_slice %arg8[%dma_start3A_115, %dma_start3A_116] : memref<100000x16xf32, #tpu.memory_space<vmem_shared>> -> memref<100000x16xf32, #tpu.memory_space<vmem_shared>>
      tpu.enqueue_indirect_dma source(%dma_start3A_111 : memref<128x16xf32, #tpu.memory_space<vmem>>) target(%dma_start3A_117 : memref<100000x16xf32, #tpu.memory_space<vmem_shared>>) offsets(%dma_start3A_114 : memref<128xi32, #tpu.memory_space<vmem>>) semaphore(%arg9 : memref<!tpu.dma_semaphore, #tpu.memory_space<semaphore_mem>>) {add = true}
      %dma_start3A_118 = arith.constant 4 : i32
      %dma_start3A_119 = arith.constant 512 : i32
      %dma_start3A_120 = arith.constant 0 : i32
      %dma_start3A_121 = tpu.memref_slice %arg6[%dma_start3A_119, %dma_start3A_120] : memref<1792x16xf32, #tpu.memory_space<vmem>> -> memref<128x16xf32, #tpu.memory_space<vmem>>
      %dma_start3A_122 = arith.constant 0 : i32
      %dma_start3A_123 = tpu.memref_slice %arg7[%dma_start3A_118, %dma_start3A_122] : memref<14x128xi32, #tpu.memory_space<vmem>> -> memref<1x128xi32, #tpu.memory_space<vmem>>
      %dma_start3A_124 = tpu.memref_squeeze %dma_start3A_123 : memref<1x128xi32, #tpu.memory_space<vmem>> -> memref<128xi32, #tpu.memory_space<vmem>>
      %dma_start3A_125 = arith.constant 0 : i32
      %dma_start3A_126 = arith.constant 0 : i32
      %dma_start3A_127 = tpu.memref_slice %arg8[%dma_start3A_125, %dma_start3A_126] : memref<100000x16xf32, #tpu.memory_space<vmem_shared>> -> memref<100000x16xf32, #tpu.memory_space<vmem_shared>>
      tpu.enqueue_indirect_dma source(%dma_start3A_121 : memref<128x16xf32, #tpu.memory_space<vmem>>) target(%dma_start3A_127 : memref<100000x16xf32, #tpu.memory_space<vmem_shared>>) offsets(%dma_start3A_124 : memref<128xi32, #tpu.memory_space<vmem>>) semaphore(%arg9 : memref<!tpu.dma_semaphore, #tpu.memory_space<semaphore_mem>>) {add = true}
      %dma_start3A_128 = arith.constant 5 : i32
      %dma_start3A_129 = arith.constant 640 : i32
      %dma_start3A_130 = arith.constant 0 : i32
      %dma_start3A_131 = tpu.memref_slice %arg6[%dma_start3A_129, %dma_start3A_130] : memref<1792x16xf32, #tpu.memory_space<vmem>> -> memref<128x16xf32, #tpu.memory_space<vmem>>
      %dma_start3A_132 = arith.constant 0 : i32
      %dma_start3A_133 = tpu.memref_slice %arg7[%dma_start3A_128, %dma_start3A_132] : memref<14x128xi32, #tpu.memory_space<vmem>> -> memref<1x128xi32, #tpu.memory_space<vmem>>
      %dma_start3A_134 = tpu.memref_squeeze %dma_start3A_133 : memref<1x128xi32, #tpu.memory_space<vmem>> -> memref<128xi32, #tpu.memory_space<vmem>>
      %dma_start3A_135 = arith.constant 0 : i32
      %dma_start3A_136 = arith.constant 0 : i32
      %dma_start3A_137 = tpu.memref_slice %arg8[%dma_start3A_135, %dma_start3A_136] : memref<100000x16xf32, #tpu.memory_space<vmem_shared>> -> memref<100000x16xf32, #tpu.memory_space<vmem_shared>>
      tpu.enqueue_indirect_dma source(%dma_start3A_131 : memref<128x16xf32, #tpu.memory_space<vmem>>) target(%dma_start3A_137 : memref<100000x16xf32, #tpu.memory_space<vmem_shared>>) offsets(%dma_start3A_134 : memref<128xi32, #tpu.memory_space<vmem>>) semaphore(%arg9 : memref<!tpu.dma_semaphore, #tpu.memory_space<semaphore_mem>>) {add = true}
      %dma_start3A_138 = arith.constant 6 : i32
      %dma_start3A_139 = arith.constant 768 : i32
      %dma_start3A_140 = arith.constant 0 : i32
      %dma_start3A_141 = tpu.memref_slice %arg6[%dma_start3A_139, %dma_start3A_140] : memref<1792x16xf32, #tpu.memory_space<vmem>> -> memref<128x16xf32, #tpu.memory_space<vmem>>
      %dma_start3A_142 = arith.constant 0 : i32
      %dma_start3A_143 = tpu.memref_slice %arg7[%dma_start3A_138, %dma_start3A_142] : memref<14x128xi32, #tpu.memory_space<vmem>> -> memref<1x128xi32, #tpu.memory_space<vmem>>
      %dma_start3A_144 = tpu.memref_squeeze %dma_start3A_143 : memref<1x128xi32, #tpu.memory_space<vmem>> -> memref<128xi32, #tpu.memory_space<vmem>>
      %dma_start3A_145 = arith.constant 0 : i32
      %dma_start3A_146 = arith.constant 0 : i32
      %dma_start3A_147 = tpu.memref_slice %arg8[%dma_start3A_145, %dma_start3A_146] : memref<100000x16xf32, #tpu.memory_space<vmem_shared>> -> memref<100000x16xf32, #tpu.memory_space<vmem_shared>>
      tpu.enqueue_indirect_dma source(%dma_start3A_141 : memref<128x16xf32, #tpu.memory_space<vmem>>) target(%dma_start3A_147 : memref<100000x16xf32, #tpu.memory_space<vmem_shared>>) offsets(%dma_start3A_144 : memref<128xi32, #tpu.memory_space<vmem>>) semaphore(%arg9 : memref<!tpu.dma_semaphore, #tpu.memory_space<semaphore_mem>>) {add = true}
      %dma_start3A_148 = arith.constant 7 : i32
      %dma_start3A_149 = arith.constant 896 : i32
      %dma_start3A_150 = arith.constant 0 : i32
      %dma_start3A_151 = tpu.memref_slice %arg6[%dma_start3A_149, %dma_start3A_150] : memref<1792x16xf32, #tpu.memory_space<vmem>> -> memref<128x16xf32, #tpu.memory_space<vmem>>
      %dma_start3A_152 = arith.constant 0 : i32
      %dma_start3A_153 = tpu.memref_slice %arg7[%dma_start3A_148, %dma_start3A_152] : memref<14x128xi32, #tpu.memory_space<vmem>> -> memref<1x128xi32, #tpu.memory_space<vmem>>
      %dma_start3A_154 = tpu.memref_squeeze %dma_start3A_153 : memref<1x128xi32, #tpu.memory_space<vmem>> -> memref<128xi32, #tpu.memory_space<vmem>>
      %dma_start3A_155 = arith.constant 0 : i32
      %dma_start3A_156 = arith.constant 0 : i32
      %dma_start3A_157 = tpu.memref_slice %arg8[%dma_start3A_155, %dma_start3A_156] : memref<100000x16xf32, #tpu.memory_space<vmem_shared>> -> memref<100000x16xf32, #tpu.memory_space<vmem_shared>>
      tpu.enqueue_indirect_dma source(%dma_start3A_151 : memref<128x16xf32, #tpu.memory_space<vmem>>) target(%dma_start3A_157 : memref<100000x16xf32, #tpu.memory_space<vmem_shared>>) offsets(%dma_start3A_154 : memref<128xi32, #tpu.memory_space<vmem>>) semaphore(%arg9 : memref<!tpu.dma_semaphore, #tpu.memory_space<semaphore_mem>>) {add = true}
      %dma_start3A_158 = arith.constant 8 : i32
      %dma_start3A_159 = arith.constant 1024 : i32
      %dma_start3A_160 = arith.constant 0 : i32
      %dma_start3A_161 = tpu.memref_slice %arg6[%dma_start3A_159, %dma_start3A_160] : memref<1792x16xf32, #tpu.memory_space<vmem>> -> memref<128x16xf32, #tpu.memory_space<vmem>>
      %dma_start3A_162 = arith.constant 0 : i32
      %dma_start3A_163 = tpu.memref_slice %arg7[%dma_start3A_158, %dma_start3A_162] : memref<14x128xi32, #tpu.memory_space<vmem>> -> memref<1x128xi32, #tpu.memory_space<vmem>>
      %dma_start3A_164 = tpu.memref_squeeze %dma_start3A_163 : memref<1x128xi32, #tpu.memory_space<vmem>> -> memref<128xi32, #tpu.memory_space<vmem>>
      %dma_start3A_165 = arith.constant 0 : i32
      %dma_start3A_166 = arith.constant 0 : i32
      %dma_start3A_167 = tpu.memref_slice %arg8[%dma_start3A_165, %dma_start3A_166] : memref<100000x16xf32, #tpu.memory_space<vmem_shared>> -> memref<100000x16xf32, #tpu.memory_space<vmem_shared>>
      tpu.enqueue_indirect_dma source(%dma_start3A_161 : memref<128x16xf32, #tpu.memory_space<vmem>>) target(%dma_start3A_167 : memref<100000x16xf32, #tpu.memory_space<vmem_shared>>) offsets(%dma_start3A_164 : memref<128xi32, #tpu.memory_space<vmem>>) semaphore(%arg9 : memref<!tpu.dma_semaphore, #tpu.memory_space<semaphore_mem>>) {add = true}
      %dma_start3A_168 = arith.constant 9 : i32
      %dma_start3A_169 = arith.constant 1152 : i32
      %dma_start3A_170 = arith.constant 0 : i32
      %dma_start3A_171 = tpu.memref_slice %arg6[%dma_start3A_169, %dma_start3A_170] : memref<1792x16xf32, #tpu.memory_space<vmem>> -> memref<128x16xf32, #tpu.memory_space<vmem>>
      %dma_start3A_172 = arith.constant 0 : i32
      %dma_start3A_173 = tpu.memref_slice %arg7[%dma_start3A_168, %dma_start3A_172] : memref<14x128xi32, #tpu.memory_space<vmem>> -> memref<1x128xi32, #tpu.memory_space<vmem>>
      %dma_start3A_174 = tpu.memref_squeeze %dma_start3A_173 : memref<1x128xi32, #tpu.memory_space<vmem>> -> memref<128xi32, #tpu.memory_space<vmem>>
      %dma_start3A_175 = arith.constant 0 : i32
      %dma_start3A_176 = arith.constant 0 : i32
      %dma_start3A_177 = tpu.memref_slice %arg8[%dma_start3A_175, %dma_start3A_176] : memref<100000x16xf32, #tpu.memory_space<vmem_shared>> -> memref<100000x16xf32, #tpu.memory_space<vmem_shared>>
      tpu.enqueue_indirect_dma source(%dma_start3A_171 : memref<128x16xf32, #tpu.memory_space<vmem>>) target(%dma_start3A_177 : memref<100000x16xf32, #tpu.memory_space<vmem_shared>>) offsets(%dma_start3A_174 : memref<128xi32, #tpu.memory_space<vmem>>) semaphore(%arg9 : memref<!tpu.dma_semaphore, #tpu.memory_space<semaphore_mem>>) {add = true}
      %dma_start3A_178 = arith.constant 10 : i32
      %dma_start3A_179 = arith.constant 1280 : i32
      %dma_start3A_180 = arith.constant 0 : i32
      %dma_start3A_181 = tpu.memref_slice %arg6[%dma_start3A_179, %dma_start3A_180] : memref<1792x16xf32, #tpu.memory_space<vmem>> -> memref<128x16xf32, #tpu.memory_space<vmem>>
      %dma_start3A_182 = arith.constant 0 : i32
      %dma_start3A_183 = tpu.memref_slice %arg7[%dma_start3A_178, %dma_start3A_182] : memref<14x128xi32, #tpu.memory_space<vmem>> -> memref<1x128xi32, #tpu.memory_space<vmem>>
      %dma_start3A_184 = tpu.memref_squeeze %dma_start3A_183 : memref<1x128xi32, #tpu.memory_space<vmem>> -> memref<128xi32, #tpu.memory_space<vmem>>
      %dma_start3A_185 = arith.constant 0 : i32
      %dma_start3A_186 = arith.constant 0 : i32
      %dma_start3A_187 = tpu.memref_slice %arg8[%dma_start3A_185, %dma_start3A_186] : memref<100000x16xf32, #tpu.memory_space<vmem_shared>> -> memref<100000x16xf32, #tpu.memory_space<vmem_shared>>
      tpu.enqueue_indirect_dma source(%dma_start3A_181 : memref<128x16xf32, #tpu.memory_space<vmem>>) target(%dma_start3A_187 : memref<100000x16xf32, #tpu.memory_space<vmem_shared>>) offsets(%dma_start3A_184 : memref<128xi32, #tpu.memory_space<vmem>>) semaphore(%arg9 : memref<!tpu.dma_semaphore, #tpu.memory_space<semaphore_mem>>) {add = true}
      %dma_start3A_188 = arith.constant 11 : i32
      %dma_start3A_189 = arith.constant 1408 : i32
      %dma_start3A_190 = arith.constant 0 : i32
      %dma_start3A_191 = tpu.memref_slice %arg6[%dma_start3A_189, %dma_start3A_190] : memref<1792x16xf32, #tpu.memory_space<vmem>> -> memref<128x16xf32, #tpu.memory_space<vmem>>
      %dma_start3A_192 = arith.constant 0 : i32
      %dma_start3A_193 = tpu.memref_slice %arg7[%dma_start3A_188, %dma_start3A_192] : memref<14x128xi32, #tpu.memory_space<vmem>> -> memref<1x128xi32, #tpu.memory_space<vmem>>
      %dma_start3A_194 = tpu.memref_squeeze %dma_start3A_193 : memref<1x128xi32, #tpu.memory_space<vmem>> -> memref<128xi32, #tpu.memory_space<vmem>>
      %dma_start3A_195 = arith.constant 0 : i32
      %dma_start3A_196 = arith.constant 0 : i32
      %dma_start3A_197 = tpu.memref_slice %arg8[%dma_start3A_195, %dma_start3A_196] : memref<100000x16xf32, #tpu.memory_space<vmem_shared>> -> memref<100000x16xf32, #tpu.memory_space<vmem_shared>>
      tpu.enqueue_indirect_dma source(%dma_start3A_191 : memref<128x16xf32, #tpu.memory_space<vmem>>) target(%dma_start3A_197 : memref<100000x16xf32, #tpu.memory_space<vmem_shared>>) offsets(%dma_start3A_194 : memref<128xi32, #tpu.memory_space<vmem>>) semaphore(%arg9 : memref<!tpu.dma_semaphore, #tpu.memory_space<semaphore_mem>>) {add = true}
      %dma_start3A_198 = arith.constant 12 : i32
      %dma_start3A_199 = arith.constant 1536 : i32
      %dma_start3A_200 = arith.constant 0 : i32
      %dma_start3A_201 = tpu.memref_slice %arg6[%dma_start3A_199, %dma_start3A_200] : memref<1792x16xf32, #tpu.memory_space<vmem>> -> memref<128x16xf32, #tpu.memory_space<vmem>>
      %dma_start3A_202 = arith.constant 0 : i32
      %dma_start3A_203 = tpu.memref_slice %arg7[%dma_start3A_198, %dma_start3A_202] : memref<14x128xi32, #tpu.memory_space<vmem>> -> memref<1x128xi32, #tpu.memory_space<vmem>>
      %dma_start3A_204 = tpu.memref_squeeze %dma_start3A_203 : memref<1x128xi32, #tpu.memory_space<vmem>> -> memref<128xi32, #tpu.memory_space<vmem>>
      %dma_start3A_205 = arith.constant 0 : i32
      %dma_start3A_206 = arith.constant 0 : i32
      %dma_start3A_207 = tpu.memref_slice %arg8[%dma_start3A_205, %dma_start3A_206] : memref<100000x16xf32, #tpu.memory_space<vmem_shared>> -> memref<100000x16xf32, #tpu.memory_space<vmem_shared>>
      tpu.enqueue_indirect_dma source(%dma_start3A_201 : memref<128x16xf32, #tpu.memory_space<vmem>>) target(%dma_start3A_207 : memref<100000x16xf32, #tpu.memory_space<vmem_shared>>) offsets(%dma_start3A_204 : memref<128xi32, #tpu.memory_space<vmem>>) semaphore(%arg9 : memref<!tpu.dma_semaphore, #tpu.memory_space<semaphore_mem>>) {add = true}
      %dma_start3A_208 = arith.constant 13 : i32
      %dma_start3A_209 = arith.constant 1664 : i32
      %dma_start3A_210 = arith.constant 0 : i32
      %dma_start3A_211 = tpu.memref_slice %arg6[%dma_start3A_209, %dma_start3A_210] : memref<1792x16xf32, #tpu.memory_space<vmem>> -> memref<128x16xf32, #tpu.memory_space<vmem>>
      %dma_start3A_212 = arith.constant 0 : i32
      %dma_start3A_213 = tpu.memref_slice %arg7[%dma_start3A_208, %dma_start3A_212] : memref<14x128xi32, #tpu.memory_space<vmem>> -> memref<1x128xi32, #tpu.memory_space<vmem>>
      %dma_start3A_214 = tpu.memref_squeeze %dma_start3A_213 : memref<1x128xi32, #tpu.memory_space<vmem>> -> memref<128xi32, #tpu.memory_space<vmem>>
      %dma_start3A_215 = arith.constant 0 : i32
      %dma_start3A_216 = arith.constant 0 : i32
      %dma_start3A_217 = tpu.memref_slice %arg8[%dma_start3A_215, %dma_start3A_216] : memref<100000x16xf32, #tpu.memory_space<vmem_shared>> -> memref<100000x16xf32, #tpu.memory_space<vmem_shared>>
      tpu.enqueue_indirect_dma source(%dma_start3A_211 : memref<128x16xf32, #tpu.memory_space<vmem>>) target(%dma_start3A_217 : memref<100000x16xf32, #tpu.memory_space<vmem_shared>>) offsets(%dma_start3A_214 : memref<128xi32, #tpu.memory_space<vmem>>) semaphore(%arg9 : memref<!tpu.dma_semaphore, #tpu.memory_space<semaphore_mem>>) {add = true}
      %dma_wait3A_218 = arith.constant 0 : i32
      %dma_wait3A_219 = arith.constant 0 : i32
      %dma_wait3A_220 = arith.constant 0 : i32
      %dma_wait3A_221 = tpu.memref_slice %arg6[%dma_wait3A_219, %dma_wait3A_220] : memref<1792x16xf32, #tpu.memory_space<vmem>> -> memref<128x16xf32, #tpu.memory_space<vmem>>
      %dma_wait3A_222 = arith.constant 0 : i32
      %dma_wait3A_223 = tpu.memref_slice %arg7[%dma_wait3A_218, %dma_wait3A_222] : memref<14x128xi32, #tpu.memory_space<vmem>> -> memref<1x128xi32, #tpu.memory_space<vmem>>
      %dma_wait3A_224 = tpu.memref_squeeze %dma_wait3A_223 : memref<1x128xi32, #tpu.memory_space<vmem>> -> memref<128xi32, #tpu.memory_space<vmem>>
      %dma_wait3A_225 = arith.constant 0 : i32
      %dma_wait3A_226 = arith.constant 0 : i32
      %dma_wait3A_227 = tpu.memref_slice %arg8[%dma_wait3A_225, %dma_wait3A_226] : memref<100000x16xf32, #tpu.memory_space<vmem_shared>> -> memref<100000x16xf32, #tpu.memory_space<vmem_shared>>
      tpu.wait_indirect_dma semaphore(%arg9 : memref<!tpu.dma_semaphore, #tpu.memory_space<semaphore_mem>>) src(%dma_wait3A_221 : memref<128x16xf32, #tpu.memory_space<vmem>>) dst(%dma_wait3A_227 : memref<100000x16xf32, #tpu.memory_space<vmem_shared>>)
      %dma_wait3A_228 = arith.constant 1 : i32
      %dma_wait3A_229 = arith.constant 128 : i32
      %dma_wait3A_230 = arith.constant 0 : i32
      %dma_wait3A_231 = tpu.memref_slice %arg6[%dma_wait3A_229, %dma_wait3A_230] : memref<1792x16xf32, #tpu.memory_space<vmem>> -> memref<128x16xf32, #tpu.memory_space<vmem>>
      %dma_wait3A_232 = arith.constant 0 : i32
      %dma_wait3A_233 = tpu.memref_slice %arg7[%dma_wait3A_228, %dma_wait3A_232] : memref<14x128xi32, #tpu.memory_space<vmem>> -> memref<1x128xi32, #tpu.memory_space<vmem>>
      %dma_wait3A_234 = tpu.memref_squeeze %dma_wait3A_233 : memref<1x128xi32, #tpu.memory_space<vmem>> -> memref<128xi32, #tpu.memory_space<vmem>>
      %dma_wait3A_235 = arith.constant 0 : i32
      %dma_wait3A_236 = arith.constant 0 : i32
      %dma_wait3A_237 = tpu.memref_slice %arg8[%dma_wait3A_235, %dma_wait3A_236] : memref<100000x16xf32, #tpu.memory_space<vmem_shared>> -> memref<100000x16xf32, #tpu.memory_space<vmem_shared>>
      tpu.wait_indirect_dma semaphore(%arg9 : memref<!tpu.dma_semaphore, #tpu.memory_space<semaphore_mem>>) src(%dma_wait3A_231 : memref<128x16xf32, #tpu.memory_space<vmem>>) dst(%dma_wait3A_237 : memref<100000x16xf32, #tpu.memory_space<vmem_shared>>)
      %dma_wait3A_238 = arith.constant 2 : i32
      %dma_wait3A_239 = arith.constant 256 : i32
      %dma_wait3A_240 = arith.constant 0 : i32
      %dma_wait3A_241 = tpu.memref_slice %arg6[%dma_wait3A_239, %dma_wait3A_240] : memref<1792x16xf32, #tpu.memory_space<vmem>> -> memref<128x16xf32, #tpu.memory_space<vmem>>
      %dma_wait3A_242 = arith.constant 0 : i32
      %dma_wait3A_243 = tpu.memref_slice %arg7[%dma_wait3A_238, %dma_wait3A_242] : memref<14x128xi32, #tpu.memory_space<vmem>> -> memref<1x128xi32, #tpu.memory_space<vmem>>
      %dma_wait3A_244 = tpu.memref_squeeze %dma_wait3A_243 : memref<1x128xi32, #tpu.memory_space<vmem>> -> memref<128xi32, #tpu.memory_space<vmem>>
      %dma_wait3A_245 = arith.constant 0 : i32
      %dma_wait3A_246 = arith.constant 0 : i32
      %dma_wait3A_247 = tpu.memref_slice %arg8[%dma_wait3A_245, %dma_wait3A_246] : memref<100000x16xf32, #tpu.memory_space<vmem_shared>> -> memref<100000x16xf32, #tpu.memory_space<vmem_shared>>
      tpu.wait_indirect_dma semaphore(%arg9 : memref<!tpu.dma_semaphore, #tpu.memory_space<semaphore_mem>>) src(%dma_wait3A_241 : memref<128x16xf32, #tpu.memory_space<vmem>>) dst(%dma_wait3A_247 : memref<100000x16xf32, #tpu.memory_space<vmem_shared>>)
      %dma_wait3A_248 = arith.constant 3 : i32
      %dma_wait3A_249 = arith.constant 384 : i32
      %dma_wait3A_250 = arith.constant 0 : i32
      %dma_wait3A_251 = tpu.memref_slice %arg6[%dma_wait3A_249, %dma_wait3A_250] : memref<1792x16xf32, #tpu.memory_space<vmem>> -> memref<128x16xf32, #tpu.memory_space<vmem>>
      %dma_wait3A_252 = arith.constant 0 : i32
      %dma_wait3A_253 = tpu.memref_slice %arg7[%dma_wait3A_248, %dma_wait3A_252] : memref<14x128xi32, #tpu.memory_space<vmem>> -> memref<1x128xi32, #tpu.memory_space<vmem>>
      %dma_wait3A_254 = tpu.memref_squeeze %dma_wait3A_253 : memref<1x128xi32, #tpu.memory_space<vmem>> -> memref<128xi32, #tpu.memory_space<vmem>>
      %dma_wait3A_255 = arith.constant 0 : i32
      %dma_wait3A_256 = arith.constant 0 : i32
      %dma_wait3A_257 = tpu.memref_slice %arg8[%dma_wait3A_255, %dma_wait3A_256] : memref<100000x16xf32, #tpu.memory_space<vmem_shared>> -> memref<100000x16xf32, #tpu.memory_space<vmem_shared>>
      tpu.wait_indirect_dma semaphore(%arg9 : memref<!tpu.dma_semaphore, #tpu.memory_space<semaphore_mem>>) src(%dma_wait3A_251 : memref<128x16xf32, #tpu.memory_space<vmem>>) dst(%dma_wait3A_257 : memref<100000x16xf32, #tpu.memory_space<vmem_shared>>)
      %dma_wait3A_258 = arith.constant 4 : i32
      %dma_wait3A_259 = arith.constant 512 : i32
      %dma_wait3A_260 = arith.constant 0 : i32
      %dma_wait3A_261 = tpu.memref_slice %arg6[%dma_wait3A_259, %dma_wait3A_260] : memref<1792x16xf32, #tpu.memory_space<vmem>> -> memref<128x16xf32, #tpu.memory_space<vmem>>
      %dma_wait3A_262 = arith.constant 0 : i32
      %dma_wait3A_263 = tpu.memref_slice %arg7[%dma_wait3A_258, %dma_wait3A_262] : memref<14x128xi32, #tpu.memory_space<vmem>> -> memref<1x128xi32, #tpu.memory_space<vmem>>
      %dma_wait3A_264 = tpu.memref_squeeze %dma_wait3A_263 : memref<1x128xi32, #tpu.memory_space<vmem>> -> memref<128xi32, #tpu.memory_space<vmem>>
      %dma_wait3A_265 = arith.constant 0 : i32
      %dma_wait3A_266 = arith.constant 0 : i32
      %dma_wait3A_267 = tpu.memref_slice %arg8[%dma_wait3A_265, %dma_wait3A_266] : memref<100000x16xf32, #tpu.memory_space<vmem_shared>> -> memref<100000x16xf32, #tpu.memory_space<vmem_shared>>
      tpu.wait_indirect_dma semaphore(%arg9 : memref<!tpu.dma_semaphore, #tpu.memory_space<semaphore_mem>>) src(%dma_wait3A_261 : memref<128x16xf32, #tpu.memory_space<vmem>>) dst(%dma_wait3A_267 : memref<100000x16xf32, #tpu.memory_space<vmem_shared>>)
      %dma_wait3A_268 = arith.constant 5 : i32
      %dma_wait3A_269 = arith.constant 640 : i32
      %dma_wait3A_270 = arith.constant 0 : i32
      %dma_wait3A_271 = tpu.memref_slice %arg6[%dma_wait3A_269, %dma_wait3A_270] : memref<1792x16xf32, #tpu.memory_space<vmem>> -> memref<128x16xf32, #tpu.memory_space<vmem>>
      %dma_wait3A_272 = arith.constant 0 : i32
      %dma_wait3A_273 = tpu.memref_slice %arg7[%dma_wait3A_268, %dma_wait3A_272] : memref<14x128xi32, #tpu.memory_space<vmem>> -> memref<1x128xi32, #tpu.memory_space<vmem>>
      %dma_wait3A_274 = tpu.memref_squeeze %dma_wait3A_273 : memref<1x128xi32, #tpu.memory_space<vmem>> -> memref<128xi32, #tpu.memory_space<vmem>>
      %dma_wait3A_275 = arith.constant 0 : i32
      %dma_wait3A_276 = arith.constant 0 : i32
      %dma_wait3A_277 = tpu.memref_slice %arg8[%dma_wait3A_275, %dma_wait3A_276] : memref<100000x16xf32, #tpu.memory_space<vmem_shared>> -> memref<100000x16xf32, #tpu.memory_space<vmem_shared>>
      tpu.wait_indirect_dma semaphore(%arg9 : memref<!tpu.dma_semaphore, #tpu.memory_space<semaphore_mem>>) src(%dma_wait3A_271 : memref<128x16xf32, #tpu.memory_space<vmem>>) dst(%dma_wait3A_277 : memref<100000x16xf32, #tpu.memory_space<vmem_shared>>)
      %dma_wait3A_278 = arith.constant 6 : i32
      %dma_wait3A_279 = arith.constant 768 : i32
      %dma_wait3A_280 = arith.constant 0 : i32
      %dma_wait3A_281 = tpu.memref_slice %arg6[%dma_wait3A_279, %dma_wait3A_280] : memref<1792x16xf32, #tpu.memory_space<vmem>> -> memref<128x16xf32, #tpu.memory_space<vmem>>
      %dma_wait3A_282 = arith.constant 0 : i32
      %dma_wait3A_283 = tpu.memref_slice %arg7[%dma_wait3A_278, %dma_wait3A_282] : memref<14x128xi32, #tpu.memory_space<vmem>> -> memref<1x128xi32, #tpu.memory_space<vmem>>
      %dma_wait3A_284 = tpu.memref_squeeze %dma_wait3A_283 : memref<1x128xi32, #tpu.memory_space<vmem>> -> memref<128xi32, #tpu.memory_space<vmem>>
      %dma_wait3A_285 = arith.constant 0 : i32
      %dma_wait3A_286 = arith.constant 0 : i32
      %dma_wait3A_287 = tpu.memref_slice %arg8[%dma_wait3A_285, %dma_wait3A_286] : memref<100000x16xf32, #tpu.memory_space<vmem_shared>> -> memref<100000x16xf32, #tpu.memory_space<vmem_shared>>
      tpu.wait_indirect_dma semaphore(%arg9 : memref<!tpu.dma_semaphore, #tpu.memory_space<semaphore_mem>>) src(%dma_wait3A_281 : memref<128x16xf32, #tpu.memory_space<vmem>>) dst(%dma_wait3A_287 : memref<100000x16xf32, #tpu.memory_space<vmem_shared>>)
      %dma_wait3A_288 = arith.constant 7 : i32
      %dma_wait3A_289 = arith.constant 896 : i32
      %dma_wait3A_290 = arith.constant 0 : i32
      %dma_wait3A_291 = tpu.memref_slice %arg6[%dma_wait3A_289, %dma_wait3A_290] : memref<1792x16xf32, #tpu.memory_space<vmem>> -> memref<128x16xf32, #tpu.memory_space<vmem>>
      %dma_wait3A_292 = arith.constant 0 : i32
      %dma_wait3A_293 = tpu.memref_slice %arg7[%dma_wait3A_288, %dma_wait3A_292] : memref<14x128xi32, #tpu.memory_space<vmem>> -> memref<1x128xi32, #tpu.memory_space<vmem>>
      %dma_wait3A_294 = tpu.memref_squeeze %dma_wait3A_293 : memref<1x128xi32, #tpu.memory_space<vmem>> -> memref<128xi32, #tpu.memory_space<vmem>>
      %dma_wait3A_295 = arith.constant 0 : i32
      %dma_wait3A_296 = arith.constant 0 : i32
      %dma_wait3A_297 = tpu.memref_slice %arg8[%dma_wait3A_295, %dma_wait3A_296] : memref<100000x16xf32, #tpu.memory_space<vmem_shared>> -> memref<100000x16xf32, #tpu.memory_space<vmem_shared>>
      tpu.wait_indirect_dma semaphore(%arg9 : memref<!tpu.dma_semaphore, #tpu.memory_space<semaphore_mem>>) src(%dma_wait3A_291 : memref<128x16xf32, #tpu.memory_space<vmem>>) dst(%dma_wait3A_297 : memref<100000x16xf32, #tpu.memory_space<vmem_shared>>)
      %dma_wait3A_298 = arith.constant 8 : i32
      %dma_wait3A_299 = arith.constant 1024 : i32
      %dma_wait3A_300 = arith.constant 0 : i32
      %dma_wait3A_301 = tpu.memref_slice %arg6[%dma_wait3A_299, %dma_wait3A_300] : memref<1792x16xf32, #tpu.memory_space<vmem>> -> memref<128x16xf32, #tpu.memory_space<vmem>>
      %dma_wait3A_302 = arith.constant 0 : i32
      %dma_wait3A_303 = tpu.memref_slice %arg7[%dma_wait3A_298, %dma_wait3A_302] : memref<14x128xi32, #tpu.memory_space<vmem>> -> memref<1x128xi32, #tpu.memory_space<vmem>>
      %dma_wait3A_304 = tpu.memref_squeeze %dma_wait3A_303 : memref<1x128xi32, #tpu.memory_space<vmem>> -> memref<128xi32, #tpu.memory_space<vmem>>
      %dma_wait3A_305 = arith.constant 0 : i32
      %dma_wait3A_306 = arith.constant 0 : i32
      %dma_wait3A_307 = tpu.memref_slice %arg8[%dma_wait3A_305, %dma_wait3A_306] : memref<100000x16xf32, #tpu.memory_space<vmem_shared>> -> memref<100000x16xf32, #tpu.memory_space<vmem_shared>>
      tpu.wait_indirect_dma semaphore(%arg9 : memref<!tpu.dma_semaphore, #tpu.memory_space<semaphore_mem>>) src(%dma_wait3A_301 : memref<128x16xf32, #tpu.memory_space<vmem>>) dst(%dma_wait3A_307 : memref<100000x16xf32, #tpu.memory_space<vmem_shared>>)
      %dma_wait3A_308 = arith.constant 9 : i32
      %dma_wait3A_309 = arith.constant 1152 : i32
      %dma_wait3A_310 = arith.constant 0 : i32
      %dma_wait3A_311 = tpu.memref_slice %arg6[%dma_wait3A_309, %dma_wait3A_310] : memref<1792x16xf32, #tpu.memory_space<vmem>> -> memref<128x16xf32, #tpu.memory_space<vmem>>
      %dma_wait3A_312 = arith.constant 0 : i32
      %dma_wait3A_313 = tpu.memref_slice %arg7[%dma_wait3A_308, %dma_wait3A_312] : memref<14x128xi32, #tpu.memory_space<vmem>> -> memref<1x128xi32, #tpu.memory_space<vmem>>
      %dma_wait3A_314 = tpu.memref_squeeze %dma_wait3A_313 : memref<1x128xi32, #tpu.memory_space<vmem>> -> memref<128xi32, #tpu.memory_space<vmem>>
      %dma_wait3A_315 = arith.constant 0 : i32
      %dma_wait3A_316 = arith.constant 0 : i32
      %dma_wait3A_317 = tpu.memref_slice %arg8[%dma_wait3A_315, %dma_wait3A_316] : memref<100000x16xf32, #tpu.memory_space<vmem_shared>> -> memref<100000x16xf32, #tpu.memory_space<vmem_shared>>
      tpu.wait_indirect_dma semaphore(%arg9 : memref<!tpu.dma_semaphore, #tpu.memory_space<semaphore_mem>>) src(%dma_wait3A_311 : memref<128x16xf32, #tpu.memory_space<vmem>>) dst(%dma_wait3A_317 : memref<100000x16xf32, #tpu.memory_space<vmem_shared>>)
      %dma_wait3A_318 = arith.constant 10 : i32
      %dma_wait3A_319 = arith.constant 1280 : i32
      %dma_wait3A_320 = arith.constant 0 : i32
      %dma_wait3A_321 = tpu.memref_slice %arg6[%dma_wait3A_319, %dma_wait3A_320] : memref<1792x16xf32, #tpu.memory_space<vmem>> -> memref<128x16xf32, #tpu.memory_space<vmem>>
      %dma_wait3A_322 = arith.constant 0 : i32
      %dma_wait3A_323 = tpu.memref_slice %arg7[%dma_wait3A_318, %dma_wait3A_322] : memref<14x128xi32, #tpu.memory_space<vmem>> -> memref<1x128xi32, #tpu.memory_space<vmem>>
      %dma_wait3A_324 = tpu.memref_squeeze %dma_wait3A_323 : memref<1x128xi32, #tpu.memory_space<vmem>> -> memref<128xi32, #tpu.memory_space<vmem>>
      %dma_wait3A_325 = arith.constant 0 : i32
      %dma_wait3A_326 = arith.constant 0 : i32
      %dma_wait3A_327 = tpu.memref_slice %arg8[%dma_wait3A_325, %dma_wait3A_326] : memref<100000x16xf32, #tpu.memory_space<vmem_shared>> -> memref<100000x16xf32, #tpu.memory_space<vmem_shared>>
      tpu.wait_indirect_dma semaphore(%arg9 : memref<!tpu.dma_semaphore, #tpu.memory_space<semaphore_mem>>) src(%dma_wait3A_321 : memref<128x16xf32, #tpu.memory_space<vmem>>) dst(%dma_wait3A_327 : memref<100000x16xf32, #tpu.memory_space<vmem_shared>>)
      %dma_wait3A_328 = arith.constant 11 : i32
      %dma_wait3A_329 = arith.constant 1408 : i32
      %dma_wait3A_330 = arith.constant 0 : i32
      %dma_wait3A_331 = tpu.memref_slice %arg6[%dma_wait3A_329, %dma_wait3A_330] : memref<1792x16xf32, #tpu.memory_space<vmem>> -> memref<128x16xf32, #tpu.memory_space<vmem>>
      %dma_wait3A_332 = arith.constant 0 : i32
      %dma_wait3A_333 = tpu.memref_slice %arg7[%dma_wait3A_328, %dma_wait3A_332] : memref<14x128xi32, #tpu.memory_space<vmem>> -> memref<1x128xi32, #tpu.memory_space<vmem>>
      %dma_wait3A_334 = tpu.memref_squeeze %dma_wait3A_333 : memref<1x128xi32, #tpu.memory_space<vmem>> -> memref<128xi32, #tpu.memory_space<vmem>>
      %dma_wait3A_335 = arith.constant 0 : i32
      %dma_wait3A_336 = arith.constant 0 : i32
      %dma_wait3A_337 = tpu.memref_slice %arg8[%dma_wait3A_335, %dma_wait3A_336] : memref<100000x16xf32, #tpu.memory_space<vmem_shared>> -> memref<100000x16xf32, #tpu.memory_space<vmem_shared>>
      tpu.wait_indirect_dma semaphore(%arg9 : memref<!tpu.dma_semaphore, #tpu.memory_space<semaphore_mem>>) src(%dma_wait3A_331 : memref<128x16xf32, #tpu.memory_space<vmem>>) dst(%dma_wait3A_337 : memref<100000x16xf32, #tpu.memory_space<vmem_shared>>)
      %dma_wait3A_338 = arith.constant 12 : i32
      %dma_wait3A_339 = arith.constant 1536 : i32
      %dma_wait3A_340 = arith.constant 0 : i32
      %dma_wait3A_341 = tpu.memref_slice %arg6[%dma_wait3A_339, %dma_wait3A_340] : memref<1792x16xf32, #tpu.memory_space<vmem>> -> memref<128x16xf32, #tpu.memory_space<vmem>>
      %dma_wait3A_342 = arith.constant 0 : i32
      %dma_wait3A_343 = tpu.memref_slice %arg7[%dma_wait3A_338, %dma_wait3A_342] : memref<14x128xi32, #tpu.memory_space<vmem>> -> memref<1x128xi32, #tpu.memory_space<vmem>>
      %dma_wait3A_344 = tpu.memref_squeeze %dma_wait3A_343 : memref<1x128xi32, #tpu.memory_space<vmem>> -> memref<128xi32, #tpu.memory_space<vmem>>
      %dma_wait3A_345 = arith.constant 0 : i32
      %dma_wait3A_346 = arith.constant 0 : i32
      %dma_wait3A_347 = tpu.memref_slice %arg8[%dma_wait3A_345, %dma_wait3A_346] : memref<100000x16xf32, #tpu.memory_space<vmem_shared>> -> memref<100000x16xf32, #tpu.memory_space<vmem_shared>>
      tpu.wait_indirect_dma semaphore(%arg9 : memref<!tpu.dma_semaphore, #tpu.memory_space<semaphore_mem>>) src(%dma_wait3A_341 : memref<128x16xf32, #tpu.memory_space<vmem>>) dst(%dma_wait3A_347 : memref<100000x16xf32, #tpu.memory_space<vmem_shared>>)
      %dma_wait3A_348 = arith.constant 13 : i32
      %dma_wait3A_349 = arith.constant 1664 : i32
      %dma_wait3A_350 = arith.constant 0 : i32
      %dma_wait3A_351 = tpu.memref_slice %arg6[%dma_wait3A_349, %dma_wait3A_350] : memref<1792x16xf32, #tpu.memory_space<vmem>> -> memref<128x16xf32, #tpu.memory_space<vmem>>
      %dma_wait3A_352 = arith.constant 0 : i32
      %dma_wait3A_353 = tpu.memref_slice %arg7[%dma_wait3A_348, %dma_wait3A_352] : memref<14x128xi32, #tpu.memory_space<vmem>> -> memref<1x128xi32, #tpu.memory_space<vmem>>
      %dma_wait3A_354 = tpu.memref_squeeze %dma_wait3A_353 : memref<1x128xi32, #tpu.memory_space<vmem>> -> memref<128xi32, #tpu.memory_space<vmem>>
      %dma_wait3A_355 = arith.constant 0 : i32
      %dma_wait3A_356 = arith.constant 0 : i32
      %dma_wait3A_357 = tpu.memref_slice %arg8[%dma_wait3A_355, %dma_wait3A_356] : memref<100000x16xf32, #tpu.memory_space<vmem_shared>> -> memref<100000x16xf32, #tpu.memory_space<vmem_shared>>
      tpu.wait_indirect_dma semaphore(%arg9 : memref<!tpu.dma_semaphore, #tpu.memory_space<semaphore_mem>>) src(%dma_wait3A_351 : memref<128x16xf32, #tpu.memory_space<vmem>>) dst(%dma_wait3A_357 : memref<100000x16xf32, #tpu.memory_space<vmem_shared>>)
      %while3A_358 = arith.constant 0 : i32
      scf.yield %while3A_358 : i32
    }
    %while3A_34 = arith.constant 1 : i32
    %while3A_35 = scf.for %while3A_52 = %while3A_31 to %while3A_27 step %while3A_34 iter_args(%while3A_53 = %while3A_33) -> (i32)  : i32 {
      %mul3A_54 = arith.constant 1792 : i32
      %mul3A_55 = arith.muli %while3A_52, %mul3A_54 : i32
      %add3A_56 = arith.addi %mul3A_21, %mul3A_55 : i32
      %dma_start3A = arith.constant 0 : i32
      %dma_start3A_57 = tpu.memref_slice %arg2[%add3A_56, %dma_start3A] : memref<3200000x16xf32, #tpu.memory_space<hbm>> -> memref<1792x16xf32, #tpu.memory_space<hbm>>
      %dma_start3A_58 = arith.constant 0 : i32
      %dma_start3A_59 = tpu.memref_slice %arg2[%add3A_56, %dma_start3A_58] : memref<3200000x16xf32, #tpu.memory_space<hbm>> -> memref<1792x16xf32, #tpu.memory_space<hbm>>
      tpu.enqueue_dma source(%dma_start3A_59 : memref<1792x16xf32, #tpu.memory_space<hbm>>) target(%arg6 : memref<1792x16xf32, #tpu.memory_space<vmem>>) target_semaphore(%arg9 : memref<!tpu.dma_semaphore, #tpu.memory_space<semaphore_mem>>)
      %mul3A_60 = arith.constant 14 : i32
      %mul3A_61 = arith.muli %while3A_52, %mul3A_60 : i32
      %add3A_62 = arith.addi %mul3A_19, %mul3A_61 : i32
      %dma_start3A_63 = arith.constant 0 : i32
      %dma_start3A_64 = tpu.memref_slice %arg3[%arg0, %add3A_62, %dma_start3A_63] : memref<2x25000x128xi32, #tpu.memory_space<hbm>> -> memref<1x14x128xi32, #tpu.memory_space<hbm>>
      %dma_start3A_65 = tpu.memref_squeeze %dma_start3A_64 : memref<1x14x128xi32, #tpu.memory_space<hbm>> -> memref<14x128xi32, #tpu.memory_space<hbm>>
      %dma_start3A_66 = arith.constant 0 : i32
      %dma_start3A_67 = tpu.memref_slice %arg3[%arg0, %add3A_62, %dma_start3A_66] : memref<2x25000x128xi32, #tpu.memory_space<hbm>> -> memref<1x14x128xi32, #tpu.memory_space<hbm>>
      %dma_start3A_68 = tpu.memref_squeeze %dma_start3A_67 : memref<1x14x128xi32, #tpu.memory_space<hbm>> -> memref<14x128xi32, #tpu.memory_space<hbm>>
      tpu.enqueue_dma source(%dma_start3A_68 : memref<14x128xi32, #tpu.memory_space<hbm>>) target(%arg7 : memref<14x128xi32, #tpu.memory_space<vmem>>) target_semaphore(%arg9 : memref<!tpu.dma_semaphore, #tpu.memory_space<semaphore_mem>>)
      %dma_wait3A = arith.constant 0 : i32
      %dma_wait3A_69 = tpu.memref_slice %arg2[%add3A_56, %dma_wait3A] : memref<3200000x16xf32, #tpu.memory_space<hbm>> -> memref<1792x16xf32, #tpu.memory_space<hbm>>
      %dma_wait3A_70 = arith.constant 0 : i32
      %dma_wait3A_71 = tpu.memref_slice %arg2[%add3A_56, %dma_wait3A_70] : memref<3200000x16xf32, #tpu.memory_space<hbm>> -> memref<1792x16xf32, #tpu.memory_space<hbm>>
      tpu.wait_dma2 semaphore(%arg9 : memref<!tpu.dma_semaphore, #tpu.memory_space<semaphore_mem>>) src(%dma_wait3A_71 : memref<1792x16xf32, #tpu.memory_space<hbm>>) dst(%arg6 : memref<1792x16xf32, #tpu.memory_space<vmem>>)
      %dma_wait3A_72 = arith.constant 0 : i32
      %dma_wait3A_73 = tpu.memref_slice %arg3[%arg0, %add3A_62, %dma_wait3A_72] : memref<2x25000x128xi32, #tpu.memory_space<hbm>> -> memref<1x14x128xi32, #tpu.memory_space<hbm>>
      %dma_wait3A_74 = tpu.memref_squeeze %dma_wait3A_73 : memref<1x14x128xi32, #tpu.memory_space<hbm>> -> memref<14x128xi32, #tpu.memory_space<hbm>>
      %dma_wait3A_75 = arith.constant 0 : i32
      %dma_wait3A_76 = tpu.memref_slice %arg3[%arg0, %add3A_62, %dma_wait3A_75] : memref<2x25000x128xi32, #tpu.memory_space<hbm>> -> memref<1x14x128xi32, #tpu.memory_space<hbm>>
      %dma_wait3A_77 = tpu.memref_squeeze %dma_wait3A_76 : memref<1x14x128xi32, #tpu.memory_space<hbm>> -> memref<14x128xi32, #tpu.memory_space<hbm>>
      tpu.wait_dma2 semaphore(%arg9 : memref<!tpu.dma_semaphore, #tpu.memory_space<semaphore_mem>>) src(%dma_wait3A_77 : memref<14x128xi32, #tpu.memory_space<hbm>>) dst(%arg7 : memref<14x128xi32, #tpu.memory_space<vmem>>)
      %dma_start3A_78 = arith.constant 0 : i32
      %dma_start3A_79 = arith.constant 0 : i32
      %dma_start3A_80 = arith.constant 0 : i32
      %dma_start3A_81 = tpu.memref_slice %arg6[%dma_start3A_79, %dma_start3A_80] : memref<1792x16xf32, #tpu.memory_space<vmem>> -> memref<128x16xf32, #tpu.memory_space<vmem>>
      %dma_start3A_82 = arith.constant 0 : i32
      %dma_start3A_83 = tpu.memref_slice %arg7[%dma_start3A_78, %dma_start3A_82] : memref<14x128xi32, #tpu.memory_space<vmem>> -> memref<1x128xi32, #tpu.memory_space<vmem>>
      %dma_start3A_84 = tpu.memref_squeeze %dma_start3A_83 : memref<1x128xi32, #tpu.memory_space<vmem>> -> memref<128xi32, #tpu.memory_space<vmem>>
      %dma_start3A_85 = arith.constant 0 : i32
      %dma_start3A_86 = arith.constant 0 : i32
      %dma_start3A_87 = tpu.memref_slice %arg8[%dma_start3A_85, %dma_start3A_86] : memref<100000x16xf32, #tpu.memory_space<vmem_shared>> -> memref<100000x16xf32, #tpu.memory_space<vmem_shared>>
      tpu.enqueue_indirect_dma source(%dma_start3A_81 : memref<128x16xf32, #tpu.memory_space<vmem>>) target(%dma_start3A_87 : memref<100000x16xf32, #tpu.memory_space<vmem_shared>>) offsets(%dma_start3A_84 : memref<128xi32, #tpu.memory_space<vmem>>) semaphore(%arg9 : memref<!tpu.dma_semaphore, #tpu.memory_space<semaphore_mem>>) {add = true}
      %dma_start3A_88 = arith.constant 1 : i32
      %dma_start3A_89 = arith.constant 128 : i32
      %dma_start3A_90 = arith.constant 0 : i32
      %dma_start3A_91 = tpu.memref_slice %arg6[%dma_start3A_89, %dma_start3A_90] : memref<1792x16xf32, #tpu.memory_space<vmem>> -> memref<128x16xf32, #tpu.memory_space<vmem>>
      %dma_start3A_92 = arith.constant 0 : i32
      %dma_start3A_93 = tpu.memref_slice %arg7[%dma_start3A_88, %dma_start3A_92] : memref<14x128xi32, #tpu.memory_space<vmem>> -> memref<1x128xi32, #tpu.memory_space<vmem>>
      %dma_start3A_94 = tpu.memref_squeeze %dma_start3A_93 : memref<1x128xi32, #tpu.memory_space<vmem>> -> memref<128xi32, #tpu.memory_space<vmem>>
      %dma_start3A_95 = arith.constant 0 : i32
      %dma_start3A_96 = arith.constant 0 : i32
      %dma_start3A_97 = tpu.memref_slice %arg8[%dma_start3A_95, %dma_start3A_96] : memref<100000x16xf32, #tpu.memory_space<vmem_shared>> -> memref<100000x16xf32, #tpu.memory_space<vmem_shared>>
      tpu.enqueue_indirect_dma source(%dma_start3A_91 : memref<128x16xf32, #tpu.memory_space<vmem>>) target(%dma_start3A_97 : memref<100000x16xf32, #tpu.memory_space<vmem_shared>>) offsets(%dma_start3A_94 : memref<128xi32, #tpu.memory_space<vmem>>) semaphore(%arg9 : memref<!tpu.dma_semaphore, #tpu.memory_space<semaphore_mem>>) {add = true}
      %dma_start3A_98 = arith.constant 2 : i32
      %dma_start3A_99 = arith.constant 256 : i32
      %dma_start3A_100 = arith.constant 0 : i32
      %dma_start3A_101 = tpu.memref_slice %arg6[%dma_start3A_99, %dma_start3A_100] : memref<1792x16xf32, #tpu.memory_space<vmem>> -> memref<128x16xf32, #tpu.memory_space<vmem>>
      %dma_start3A_102 = arith.constant 0 : i32
      %dma_start3A_103 = tpu.memref_slice %arg7[%dma_start3A_98, %dma_start3A_102] : memref<14x128xi32, #tpu.memory_space<vmem>> -> memref<1x128xi32, #tpu.memory_space<vmem>>
      %dma_start3A_104 = tpu.memref_squeeze %dma_start3A_103 : memref<1x128xi32, #tpu.memory_space<vmem>> -> memref<128xi32, #tpu.memory_space<vmem>>
      %dma_start3A_105 = arith.constant 0 : i32
      %dma_start3A_106 = arith.constant 0 : i32
      %dma_start3A_107 = tpu.memref_slice %arg8[%dma_start3A_105, %dma_start3A_106] : memref<100000x16xf32, #tpu.memory_space<vmem_shared>> -> memref<100000x16xf32, #tpu.memory_space<vmem_shared>>
      tpu.enqueue_indirect_dma source(%dma_start3A_101 : memref<128x16xf32, #tpu.memory_space<vmem>>) target(%dma_start3A_107 : memref<100000x16xf32, #tpu.memory_space<vmem_shared>>) offsets(%dma_start3A_104 : memref<128xi32, #tpu.memory_space<vmem>>) semaphore(%arg9 : memref<!tpu.dma_semaphore, #tpu.memory_space<semaphore_mem>>) {add = true}
      %dma_start3A_108 = arith.constant 3 : i32
      %dma_start3A_109 = arith.constant 384 : i32
      %dma_start3A_110 = arith.constant 0 : i32
      %dma_start3A_111 = tpu.memref_slice %arg6[%dma_start3A_109, %dma_start3A_110] : memref<1792x16xf32, #tpu.memory_space<vmem>> -> memref<128x16xf32, #tpu.memory_space<vmem>>
      %dma_start3A_112 = arith.constant 0 : i32
      %dma_start3A_113 = tpu.memref_slice %arg7[%dma_start3A_108, %dma_start3A_112] : memref<14x128xi32, #tpu.memory_space<vmem>> -> memref<1x128xi32, #tpu.memory_space<vmem>>
      %dma_start3A_114 = tpu.memref_squeeze %dma_start3A_113 : memref<1x128xi32, #tpu.memory_space<vmem>> -> memref<128xi32, #tpu.memory_space<vmem>>
      %dma_start3A_115 = arith.constant 0 : i32
      %dma_start3A_116 = arith.constant 0 : i32
      %dma_start3A_117 = tpu.memref_slice %arg8[%dma_start3A_115, %dma_start3A_116] : memref<100000x16xf32, #tpu.memory_space<vmem_shared>> -> memref<100000x16xf32, #tpu.memory_space<vmem_shared>>
      tpu.enqueue_indirect_dma source(%dma_start3A_111 : memref<128x16xf32, #tpu.memory_space<vmem>>) target(%dma_start3A_117 : memref<100000x16xf32, #tpu.memory_space<vmem_shared>>) offsets(%dma_start3A_114 : memref<128xi32, #tpu.memory_space<vmem>>) semaphore(%arg9 : memref<!tpu.dma_semaphore, #tpu.memory_space<semaphore_mem>>) {add = true}
      %dma_start3A_118 = arith.constant 4 : i32
      %dma_start3A_119 = arith.constant 512 : i32
      %dma_start3A_120 = arith.constant 0 : i32
      %dma_start3A_121 = tpu.memref_slice %arg6[%dma_start3A_119, %dma_start3A_120] : memref<1792x16xf32, #tpu.memory_space<vmem>> -> memref<128x16xf32, #tpu.memory_space<vmem>>
      %dma_start3A_122 = arith.constant 0 : i32
      %dma_start3A_123 = tpu.memref_slice %arg7[%dma_start3A_118, %dma_start3A_122] : memref<14x128xi32, #tpu.memory_space<vmem>> -> memref<1x128xi32, #tpu.memory_space<vmem>>
      %dma_start3A_124 = tpu.memref_squeeze %dma_start3A_123 : memref<1x128xi32, #tpu.memory_space<vmem>> -> memref<128xi32, #tpu.memory_space<vmem>>
      %dma_start3A_125 = arith.constant 0 : i32
      %dma_start3A_126 = arith.constant 0 : i32
      %dma_start3A_127 = tpu.memref_slice %arg8[%dma_start3A_125, %dma_start3A_126] : memref<100000x16xf32, #tpu.memory_space<vmem_shared>> -> memref<100000x16xf32, #tpu.memory_space<vmem_shared>>
      tpu.enqueue_indirect_dma source(%dma_start3A_121 : memref<128x16xf32, #tpu.memory_space<vmem>>) target(%dma_start3A_127 : memref<100000x16xf32, #tpu.memory_space<vmem_shared>>) offsets(%dma_start3A_124 : memref<128xi32, #tpu.memory_space<vmem>>) semaphore(%arg9 : memref<!tpu.dma_semaphore, #tpu.memory_space<semaphore_mem>>) {add = true}
      %dma_start3A_128 = arith.constant 5 : i32
      %dma_start3A_129 = arith.constant 640 : i32
      %dma_start3A_130 = arith.constant 0 : i32
      %dma_start3A_131 = tpu.memref_slice %arg6[%dma_start3A_129, %dma_start3A_130] : memref<1792x16xf32, #tpu.memory_space<vmem>> -> memref<128x16xf32, #tpu.memory_space<vmem>>
      %dma_start3A_132 = arith.constant 0 : i32
      %dma_start3A_133 = tpu.memref_slice %arg7[%dma_start3A_128, %dma_start3A_132] : memref<14x128xi32, #tpu.memory_space<vmem>> -> memref<1x128xi32, #tpu.memory_space<vmem>>
      %dma_start3A_134 = tpu.memref_squeeze %dma_start3A_133 : memref<1x128xi32, #tpu.memory_space<vmem>> -> memref<128xi32, #tpu.memory_space<vmem>>
      %dma_start3A_135 = arith.constant 0 : i32
      %dma_start3A_136 = arith.constant 0 : i32
      %dma_start3A_137 = tpu.memref_slice %arg8[%dma_start3A_135, %dma_start3A_136] : memref<100000x16xf32, #tpu.memory_space<vmem_shared>> -> memref<100000x16xf32, #tpu.memory_space<vmem_shared>>
      tpu.enqueue_indirect_dma source(%dma_start3A_131 : memref<128x16xf32, #tpu.memory_space<vmem>>) target(%dma_start3A_137 : memref<100000x16xf32, #tpu.memory_space<vmem_shared>>) offsets(%dma_start3A_134 : memref<128xi32, #tpu.memory_space<vmem>>) semaphore(%arg9 : memref<!tpu.dma_semaphore, #tpu.memory_space<semaphore_mem>>) {add = true}
      %dma_start3A_138 = arith.constant 6 : i32
      %dma_start3A_139 = arith.constant 768 : i32
      %dma_start3A_140 = arith.constant 0 : i32
      %dma_start3A_141 = tpu.memref_slice %arg6[%dma_start3A_139, %dma_start3A_140] : memref<1792x16xf32, #tpu.memory_space<vmem>> -> memref<128x16xf32, #tpu.memory_space<vmem>>
      %dma_start3A_142 = arith.constant 0 : i32
      %dma_start3A_143 = tpu.memref_slice %arg7[%dma_start3A_138, %dma_start3A_142] : memref<14x128xi32, #tpu.memory_space<vmem>> -> memref<1x128xi32, #tpu.memory_space<vmem>>
      %dma_start3A_144 = tpu.memref_squeeze %dma_start3A_143 : memref<1x128xi32, #tpu.memory_space<vmem>> -> memref<128xi32, #tpu.memory_space<vmem>>
      %dma_start3A_145 = arith.constant 0 : i32
      %dma_start3A_146 = arith.constant 0 : i32
      %dma_start3A_147 = tpu.memref_slice %arg8[%dma_start3A_145, %dma_start3A_146] : memref<100000x16xf32, #tpu.memory_space<vmem_shared>> -> memref<100000x16xf32, #tpu.memory_space<vmem_shared>>
      tpu.enqueue_indirect_dma source(%dma_start3A_141 : memref<128x16xf32, #tpu.memory_space<vmem>>) target(%dma_start3A_147 : memref<100000x16xf32, #tpu.memory_space<vmem_shared>>) offsets(%dma_start3A_144 : memref<128xi32, #tpu.memory_space<vmem>>) semaphore(%arg9 : memref<!tpu.dma_semaphore, #tpu.memory_space<semaphore_mem>>) {add = true}
      %dma_start3A_148 = arith.constant 7 : i32
      %dma_start3A_149 = arith.constant 896 : i32
      %dma_start3A_150 = arith.constant 0 : i32
      %dma_start3A_151 = tpu.memref_slice %arg6[%dma_start3A_149, %dma_start3A_150] : memref<1792x16xf32, #tpu.memory_space<vmem>> -> memref<128x16xf32, #tpu.memory_space<vmem>>
      %dma_start3A_152 = arith.constant 0 : i32
      %dma_start3A_153 = tpu.memref_slice %arg7[%dma_start3A_148, %dma_start3A_152] : memref<14x128xi32, #tpu.memory_space<vmem>> -> memref<1x128xi32, #tpu.memory_space<vmem>>
      %dma_start3A_154 = tpu.memref_squeeze %dma_start3A_153 : memref<1x128xi32, #tpu.memory_space<vmem>> -> memref<128xi32, #tpu.memory_space<vmem>>
      %dma_start3A_155 = arith.constant 0 : i32
      %dma_start3A_156 = arith.constant 0 : i32
      %dma_start3A_157 = tpu.memref_slice %arg8[%dma_start3A_155, %dma_start3A_156] : memref<100000x16xf32, #tpu.memory_space<vmem_shared>> -> memref<100000x16xf32, #tpu.memory_space<vmem_shared>>
      tpu.enqueue_indirect_dma source(%dma_start3A_151 : memref<128x16xf32, #tpu.memory_space<vmem>>) target(%dma_start3A_157 : memref<100000x16xf32, #tpu.memory_space<vmem_shared>>) offsets(%dma_start3A_154 : memref<128xi32, #tpu.memory_space<vmem>>) semaphore(%arg9 : memref<!tpu.dma_semaphore, #tpu.memory_space<semaphore_mem>>) {add = true}
      %dma_start3A_158 = arith.constant 8 : i32
      %dma_start3A_159 = arith.constant 1024 : i32
      %dma_start3A_160 = arith.constant 0 : i32
      %dma_start3A_161 = tpu.memref_slice %arg6[%dma_start3A_159, %dma_start3A_160] : memref<1792x16xf32, #tpu.memory_space<vmem>> -> memref<128x16xf32, #tpu.memory_space<vmem>>
      %dma_start3A_162 = arith.constant 0 : i32
      %dma_start3A_163 = tpu.memref_slice %arg7[%dma_start3A_158, %dma_start3A_162] : memref<14x128xi32, #tpu.memory_space<vmem>> -> memref<1x128xi32, #tpu.memory_space<vmem>>
      %dma_start3A_164 = tpu.memref_squeeze %dma_start3A_163 : memref<1x128xi32, #tpu.memory_space<vmem>> -> memref<128xi32, #tpu.memory_space<vmem>>
      %dma_start3A_165 = arith.constant 0 : i32
      %dma_start3A_166 = arith.constant 0 : i32
      %dma_start3A_167 = tpu.memref_slice %arg8[%dma_start3A_165, %dma_start3A_166] : memref<100000x16xf32, #tpu.memory_space<vmem_shared>> -> memref<100000x16xf32, #tpu.memory_space<vmem_shared>>
      tpu.enqueue_indirect_dma source(%dma_start3A_161 : memref<128x16xf32, #tpu.memory_space<vmem>>) target(%dma_start3A_167 : memref<100000x16xf32, #tpu.memory_space<vmem_shared>>) offsets(%dma_start3A_164 : memref<128xi32, #tpu.memory_space<vmem>>) semaphore(%arg9 : memref<!tpu.dma_semaphore, #tpu.memory_space<semaphore_mem>>) {add = true}
      %dma_start3A_168 = arith.constant 9 : i32
      %dma_start3A_169 = arith.constant 1152 : i32
      %dma_start3A_170 = arith.constant 0 : i32
      %dma_start3A_171 = tpu.memref_slice %arg6[%dma_start3A_169, %dma_start3A_170] : memref<1792x16xf32, #tpu.memory_space<vmem>> -> memref<128x16xf32, #tpu.memory_space<vmem>>
      %dma_start3A_172 = arith.constant 0 : i32
      %dma_start3A_173 = tpu.memref_slice %arg7[%dma_start3A_168, %dma_start3A_172] : memref<14x128xi32, #tpu.memory_space<vmem>> -> memref<1x128xi32, #tpu.memory_space<vmem>>
      %dma_start3A_174 = tpu.memref_squeeze %dma_start3A_173 : memref<1x128xi32, #tpu.memory_space<vmem>> -> memref<128xi32, #tpu.memory_space<vmem>>
      %dma_start3A_175 = arith.constant 0 : i32
      %dma_start3A_176 = arith.constant 0 : i32
      %dma_start3A_177 = tpu.memref_slice %arg8[%dma_start3A_175, %dma_start3A_176] : memref<100000x16xf32, #tpu.memory_space<vmem_shared>> -> memref<100000x16xf32, #tpu.memory_space<vmem_shared>>
      tpu.enqueue_indirect_dma source(%dma_start3A_171 : memref<128x16xf32, #tpu.memory_space<vmem>>) target(%dma_start3A_177 : memref<100000x16xf32, #tpu.memory_space<vmem_shared>>) offsets(%dma_start3A_174 : memref<128xi32, #tpu.memory_space<vmem>>) semaphore(%arg9 : memref<!tpu.dma_semaphore, #tpu.memory_space<semaphore_mem>>) {add = true}
      %dma_start3A_178 = arith.constant 10 : i32
      %dma_start3A_179 = arith.constant 1280 : i32
      %dma_start3A_180 = arith.constant 0 : i32
      %dma_start3A_181 = tpu.memref_slice %arg6[%dma_start3A_179, %dma_start3A_180] : memref<1792x16xf32, #tpu.memory_space<vmem>> -> memref<128x16xf32, #tpu.memory_space<vmem>>
      %dma_start3A_182 = arith.constant 0 : i32
      %dma_start3A_183 = tpu.memref_slice %arg7[%dma_start3A_178, %dma_start3A_182] : memref<14x128xi32, #tpu.memory_space<vmem>> -> memref<1x128xi32, #tpu.memory_space<vmem>>
      %dma_start3A_184 = tpu.memref_squeeze %dma_start3A_183 : memref<1x128xi32, #tpu.memory_space<vmem>> -> memref<128xi32, #tpu.memory_space<vmem>>
      %dma_start3A_185 = arith.constant 0 : i32
      %dma_start3A_186 = arith.constant 0 : i32
      %dma_start3A_187 = tpu.memref_slice %arg8[%dma_start3A_185, %dma_start3A_186] : memref<100000x16xf32, #tpu.memory_space<vmem_shared>> -> memref<100000x16xf32, #tpu.memory_space<vmem_shared>>
      tpu.enqueue_indirect_dma source(%dma_start3A_181 : memref<128x16xf32, #tpu.memory_space<vmem>>) target(%dma_start3A_187 : memref<100000x16xf32, #tpu.memory_space<vmem_shared>>) offsets(%dma_start3A_184 : memref<128xi32, #tpu.memory_space<vmem>>) semaphore(%arg9 : memref<!tpu.dma_semaphore, #tpu.memory_space<semaphore_mem>>) {add = true}
      %dma_start3A_188 = arith.constant 11 : i32
      %dma_start3A_189 = arith.constant 1408 : i32
      %dma_start3A_190 = arith.constant 0 : i32
      %dma_start3A_191 = tpu.memref_slice %arg6[%dma_start3A_189, %dma_start3A_190] : memref<1792x16xf32, #tpu.memory_space<vmem>> -> memref<128x16xf32, #tpu.memory_space<vmem>>
      %dma_start3A_192 = arith.constant 0 : i32
      %dma_start3A_193 = tpu.memref_slice %arg7[%dma_start3A_188, %dma_start3A_192] : memref<14x128xi32, #tpu.memory_space<vmem>> -> memref<1x128xi32, #tpu.memory_space<vmem>>
      %dma_start3A_194 = tpu.memref_squeeze %dma_start3A_193 : memref<1x128xi32, #tpu.memory_space<vmem>> -> memref<128xi32, #tpu.memory_space<vmem>>
      %dma_start3A_195 = arith.constant 0 : i32
      %dma_start3A_196 = arith.constant 0 : i32
      %dma_start3A_197 = tpu.memref_slice %arg8[%dma_start3A_195, %dma_start3A_196] : memref<100000x16xf32, #tpu.memory_space<vmem_shared>> -> memref<100000x16xf32, #tpu.memory_space<vmem_shared>>
      tpu.enqueue_indirect_dma source(%dma_start3A_191 : memref<128x16xf32, #tpu.memory_space<vmem>>) target(%dma_start3A_197 : memref<100000x16xf32, #tpu.memory_space<vmem_shared>>) offsets(%dma_start3A_194 : memref<128xi32, #tpu.memory_space<vmem>>) semaphore(%arg9 : memref<!tpu.dma_semaphore, #tpu.memory_space<semaphore_mem>>) {add = true}
      %dma_start3A_198 = arith.constant 12 : i32
      %dma_start3A_199 = arith.constant 1536 : i32
      %dma_start3A_200 = arith.constant 0 : i32
      %dma_start3A_201 = tpu.memref_slice %arg6[%dma_start3A_199, %dma_start3A_200] : memref<1792x16xf32, #tpu.memory_space<vmem>> -> memref<128x16xf32, #tpu.memory_space<vmem>>
      %dma_start3A_202 = arith.constant 0 : i32
      %dma_start3A_203 = tpu.memref_slice %arg7[%dma_start3A_198, %dma_start3A_202] : memref<14x128xi32, #tpu.memory_space<vmem>> -> memref<1x128xi32, #tpu.memory_space<vmem>>
      %dma_start3A_204 = tpu.memref_squeeze %dma_start3A_203 : memref<1x128xi32, #tpu.memory_space<vmem>> -> memref<128xi32, #tpu.memory_space<vmem>>
      %dma_start3A_205 = arith.constant 0 : i32
      %dma_start3A_206 = arith.constant 0 : i32
      %dma_start3A_207 = tpu.memref_slice %arg8[%dma_start3A_205, %dma_start3A_206] : memref<100000x16xf32, #tpu.memory_space<vmem_shared>> -> memref<100000x16xf32, #tpu.memory_space<vmem_shared>>
      tpu.enqueue_indirect_dma source(%dma_start3A_201 : memref<128x16xf32, #tpu.memory_space<vmem>>) target(%dma_start3A_207 : memref<100000x16xf32, #tpu.memory_space<vmem_shared>>) offsets(%dma_start3A_204 : memref<128xi32, #tpu.memory_space<vmem>>) semaphore(%arg9 : memref<!tpu.dma_semaphore, #tpu.memory_space<semaphore_mem>>) {add = true}
      %dma_start3A_208 = arith.constant 13 : i32
      %dma_start3A_209 = arith.constant 1664 : i32
      %dma_start3A_210 = arith.constant 0 : i32
      %dma_start3A_211 = tpu.memref_slice %arg6[%dma_start3A_209, %dma_start3A_210] : memref<1792x16xf32, #tpu.memory_space<vmem>> -> memref<128x16xf32, #tpu.memory_space<vmem>>
      %dma_start3A_212 = arith.constant 0 : i32
      %dma_start3A_213 = tpu.memref_slice %arg7[%dma_start3A_208, %dma_start3A_212] : memref<14x128xi32, #tpu.memory_space<vmem>> -> memref<1x128xi32, #tpu.memory_space<vmem>>
      %dma_start3A_214 = tpu.memref_squeeze %dma_start3A_213 : memref<1x128xi32, #tpu.memory_space<vmem>> -> memref<128xi32, #tpu.memory_space<vmem>>
      %dma_start3A_215 = arith.constant 0 : i32
      %dma_start3A_216 = arith.constant 0 : i32
      %dma_start3A_217 = tpu.memref_slice %arg8[%dma_start3A_215, %dma_start3A_216] : memref<100000x16xf32, #tpu.memory_space<vmem_shared>> -> memref<100000x16xf32, #tpu.memory_space<vmem_shared>>
      tpu.enqueue_indirect_dma source(%dma_start3A_211 : memref<128x16xf32, #tpu.memory_space<vmem>>) target(%dma_start3A_217 : memref<100000x16xf32, #tpu.memory_space<vmem_shared>>) offsets(%dma_start3A_214 : memref<128xi32, #tpu.memory_space<vmem>>) semaphore(%arg9 : memref<!tpu.dma_semaphore, #tpu.memory_space<semaphore_mem>>) {add = true}
      %dma_wait3A_218 = arith.constant 0 : i32
      %dma_wait3A_219 = arith.constant 0 : i32
      %dma_wait3A_220 = arith.constant 0 : i32
      %dma_wait3A_221 = tpu.memref_slice %arg6[%dma_wait3A_219, %dma_wait3A_220] : memref<1792x16xf32, #tpu.memory_space<vmem>> -> memref<128x16xf32, #tpu.memory_space<vmem>>
      %dma_wait3A_222 = arith.constant 0 : i32
      %dma_wait3A_223 = tpu.memref_slice %arg7[%dma_wait3A_218, %dma_wait3A_222] : memref<14x128xi32, #tpu.memory_space<vmem>> -> memref<1x128xi32, #tpu.memory_space<vmem>>
      %dma_wait3A_224 = tpu.memref_squeeze %dma_wait3A_223 : memref<1x128xi32, #tpu.memory_space<vmem>> -> memref<128xi32, #tpu.memory_space<vmem>>
      %dma_wait3A_225 = arith.constant 0 : i32
      %dma_wait3A_226 = arith.constant 0 : i32
      %dma_wait3A_227 = tpu.memref_slice %arg8[%dma_wait3A_225, %dma_wait3A_226] : memref<100000x16xf32, #tpu.memory_space<vmem_shared>> -> memref<100000x16xf32, #tpu.memory_space<vmem_shared>>
      tpu.wait_indirect_dma semaphore(%arg9 : memref<!tpu.dma_semaphore, #tpu.memory_space<semaphore_mem>>) src(%dma_wait3A_221 : memref<128x16xf32, #tpu.memory_space<vmem>>) dst(%dma_wait3A_227 : memref<100000x16xf32, #tpu.memory_space<vmem_shared>>)
      %dma_wait3A_228 = arith.constant 1 : i32
      %dma_wait3A_229 = arith.constant 128 : i32
      %dma_wait3A_230 = arith.constant 0 : i32
      %dma_wait3A_231 = tpu.memref_slice %arg6[%dma_wait3A_229, %dma_wait3A_230] : memref<1792x16xf32, #tpu.memory_space<vmem>> -> memref<128x16xf32, #tpu.memory_space<vmem>>
      %dma_wait3A_232 = arith.constant 0 : i32
      %dma_wait3A_233 = tpu.memref_slice %arg7[%dma_wait3A_228, %dma_wait3A_232] : memref<14x128xi32, #tpu.memory_space<vmem>> -> memref<1x128xi32, #tpu.memory_space<vmem>>
      %dma_wait3A_234 = tpu.memref_squeeze %dma_wait3A_233 : memref<1x128xi32, #tpu.memory_space<vmem>> -> memref<128xi32, #tpu.memory_space<vmem>>
      %dma_wait3A_235 = arith.constant 0 : i32
      %dma_wait3A_236 = arith.constant 0 : i32
      %dma_wait3A_237 = tpu.memref_slice %arg8[%dma_wait3A_235, %dma_wait3A_236] : memref<100000x16xf32, #tpu.memory_space<vmem_shared>> -> memref<100000x16xf32, #tpu.memory_space<vmem_shared>>
      tpu.wait_indirect_dma semaphore(%arg9 : memref<!tpu.dma_semaphore, #tpu.memory_space<semaphore_mem>>) src(%dma_wait3A_231 : memref<128x16xf32, #tpu.memory_space<vmem>>) dst(%dma_wait3A_237 : memref<100000x16xf32, #tpu.memory_space<vmem_shared>>)
      %dma_wait3A_238 = arith.constant 2 : i32
      %dma_wait3A_239 = arith.constant 256 : i32
      %dma_wait3A_240 = arith.constant 0 : i32
      %dma_wait3A_241 = tpu.memref_slice %arg6[%dma_wait3A_239, %dma_wait3A_240] : memref<1792x16xf32, #tpu.memory_space<vmem>> -> memref<128x16xf32, #tpu.memory_space<vmem>>
      %dma_wait3A_242 = arith.constant 0 : i32
      %dma_wait3A_243 = tpu.memref_slice %arg7[%dma_wait3A_238, %dma_wait3A_242] : memref<14x128xi32, #tpu.memory_space<vmem>> -> memref<1x128xi32, #tpu.memory_space<vmem>>
      %dma_wait3A_244 = tpu.memref_squeeze %dma_wait3A_243 : memref<1x128xi32, #tpu.memory_space<vmem>> -> memref<128xi32, #tpu.memory_space<vmem>>
      %dma_wait3A_245 = arith.constant 0 : i32
      %dma_wait3A_246 = arith.constant 0 : i32
      %dma_wait3A_247 = tpu.memref_slice %arg8[%dma_wait3A_245, %dma_wait3A_246] : memref<100000x16xf32, #tpu.memory_space<vmem_shared>> -> memref<100000x16xf32, #tpu.memory_space<vmem_shared>>
      tpu.wait_indirect_dma semaphore(%arg9 : memref<!tpu.dma_semaphore, #tpu.memory_space<semaphore_mem>>) src(%dma_wait3A_241 : memref<128x16xf32, #tpu.memory_space<vmem>>) dst(%dma_wait3A_247 : memref<100000x16xf32, #tpu.memory_space<vmem_shared>>)
      %dma_wait3A_248 = arith.constant 3 : i32
      %dma_wait3A_249 = arith.constant 384 : i32
      %dma_wait3A_250 = arith.constant 0 : i32
      %dma_wait3A_251 = tpu.memref_slice %arg6[%dma_wait3A_249, %dma_wait3A_250] : memref<1792x16xf32, #tpu.memory_space<vmem>> -> memref<128x16xf32, #tpu.memory_space<vmem>>
      %dma_wait3A_252 = arith.constant 0 : i32
      %dma_wait3A_253 = tpu.memref_slice %arg7[%dma_wait3A_248, %dma_wait3A_252] : memref<14x128xi32, #tpu.memory_space<vmem>> -> memref<1x128xi32, #tpu.memory_space<vmem>>
      %dma_wait3A_254 = tpu.memref_squeeze %dma_wait3A_253 : memref<1x128xi32, #tpu.memory_space<vmem>> -> memref<128xi32, #tpu.memory_space<vmem>>
      %dma_wait3A_255 = arith.constant 0 : i32
      %dma_wait3A_256 = arith.constant 0 : i32
      %dma_wait3A_257 = tpu.memref_slice %arg8[%dma_wait3A_255, %dma_wait3A_256] : memref<100000x16xf32, #tpu.memory_space<vmem_shared>> -> memref<100000x16xf32, #tpu.memory_space<vmem_shared>>
      tpu.wait_indirect_dma semaphore(%arg9 : memref<!tpu.dma_semaphore, #tpu.memory_space<semaphore_mem>>) src(%dma_wait3A_251 : memref<128x16xf32, #tpu.memory_space<vmem>>) dst(%dma_wait3A_257 : memref<100000x16xf32, #tpu.memory_space<vmem_shared>>)
      %dma_wait3A_258 = arith.constant 4 : i32
      %dma_wait3A_259 = arith.constant 512 : i32
      %dma_wait3A_260 = arith.constant 0 : i32
      %dma_wait3A_261 = tpu.memref_slice %arg6[%dma_wait3A_259, %dma_wait3A_260] : memref<1792x16xf32, #tpu.memory_space<vmem>> -> memref<128x16xf32, #tpu.memory_space<vmem>>
      %dma_wait3A_262 = arith.constant 0 : i32
      %dma_wait3A_263 = tpu.memref_slice %arg7[%dma_wait3A_258, %dma_wait3A_262] : memref<14x128xi32, #tpu.memory_space<vmem>> -> memref<1x128xi32, #tpu.memory_space<vmem>>
      %dma_wait3A_264 = tpu.memref_squeeze %dma_wait3A_263 : memref<1x128xi32, #tpu.memory_space<vmem>> -> memref<128xi32, #tpu.memory_space<vmem>>
      %dma_wait3A_265 = arith.constant 0 : i32
      %dma_wait3A_266 = arith.constant 0 : i32
      %dma_wait3A_267 = tpu.memref_slice %arg8[%dma_wait3A_265, %dma_wait3A_266] : memref<100000x16xf32, #tpu.memory_space<vmem_shared>> -> memref<100000x16xf32, #tpu.memory_space<vmem_shared>>
      tpu.wait_indirect_dma semaphore(%arg9 : memref<!tpu.dma_semaphore, #tpu.memory_space<semaphore_mem>>) src(%dma_wait3A_261 : memref<128x16xf32, #tpu.memory_space<vmem>>) dst(%dma_wait3A_267 : memref<100000x16xf32, #tpu.memory_space<vmem_shared>>)
      %dma_wait3A_268 = arith.constant 5 : i32
      %dma_wait3A_269 = arith.constant 640 : i32
      %dma_wait3A_270 = arith.constant 0 : i32
      %dma_wait3A_271 = tpu.memref_slice %arg6[%dma_wait3A_269, %dma_wait3A_270] : memref<1792x16xf32, #tpu.memory_space<vmem>> -> memref<128x16xf32, #tpu.memory_space<vmem>>
      %dma_wait3A_272 = arith.constant 0 : i32
      %dma_wait3A_273 = tpu.memref_slice %arg7[%dma_wait3A_268, %dma_wait3A_272] : memref<14x128xi32, #tpu.memory_space<vmem>> -> memref<1x128xi32, #tpu.memory_space<vmem>>
      %dma_wait3A_274 = tpu.memref_squeeze %dma_wait3A_273 : memref<1x128xi32, #tpu.memory_space<vmem>> -> memref<128xi32, #tpu.memory_space<vmem>>
      %dma_wait3A_275 = arith.constant 0 : i32
      %dma_wait3A_276 = arith.constant 0 : i32
      %dma_wait3A_277 = tpu.memref_slice %arg8[%dma_wait3A_275, %dma_wait3A_276] : memref<100000x16xf32, #tpu.memory_space<vmem_shared>> -> memref<100000x16xf32, #tpu.memory_space<vmem_shared>>
      tpu.wait_indirect_dma semaphore(%arg9 : memref<!tpu.dma_semaphore, #tpu.memory_space<semaphore_mem>>) src(%dma_wait3A_271 : memref<128x16xf32, #tpu.memory_space<vmem>>) dst(%dma_wait3A_277 : memref<100000x16xf32, #tpu.memory_space<vmem_shared>>)
      %dma_wait3A_278 = arith.constant 6 : i32
      %dma_wait3A_279 = arith.constant 768 : i32
      %dma_wait3A_280 = arith.constant 0 : i32
      %dma_wait3A_281 = tpu.memref_slice %arg6[%dma_wait3A_279, %dma_wait3A_280] : memref<1792x16xf32, #tpu.memory_space<vmem>> -> memref<128x16xf32, #tpu.memory_space<vmem>>
      %dma_wait3A_282 = arith.constant 0 : i32
      %dma_wait3A_283 = tpu.memref_slice %arg7[%dma_wait3A_278, %dma_wait3A_282] : memref<14x128xi32, #tpu.memory_space<vmem>> -> memref<1x128xi32, #tpu.memory_space<vmem>>
      %dma_wait3A_284 = tpu.memref_squeeze %dma_wait3A_283 : memref<1x128xi32, #tpu.memory_space<vmem>> -> memref<128xi32, #tpu.memory_space<vmem>>
      %dma_wait3A_285 = arith.constant 0 : i32
      %dma_wait3A_286 = arith.constant 0 : i32
      %dma_wait3A_287 = tpu.memref_slice %arg8[%dma_wait3A_285, %dma_wait3A_286] : memref<100000x16xf32, #tpu.memory_space<vmem_shared>> -> memref<100000x16xf32, #tpu.memory_space<vmem_shared>>
      tpu.wait_indirect_dma semaphore(%arg9 : memref<!tpu.dma_semaphore, #tpu.memory_space<semaphore_mem>>) src(%dma_wait3A_281 : memref<128x16xf32, #tpu.memory_space<vmem>>) dst(%dma_wait3A_287 : memref<100000x16xf32, #tpu.memory_space<vmem_shared>>)
      %dma_wait3A_288 = arith.constant 7 : i32
      %dma_wait3A_289 = arith.constant 896 : i32
      %dma_wait3A_290 = arith.constant 0 : i32
      %dma_wait3A_291 = tpu.memref_slice %arg6[%dma_wait3A_289, %dma_wait3A_290] : memref<1792x16xf32, #tpu.memory_space<vmem>> -> memref<128x16xf32, #tpu.memory_space<vmem>>
      %dma_wait3A_292 = arith.constant 0 : i32
      %dma_wait3A_293 = tpu.memref_slice %arg7[%dma_wait3A_288, %dma_wait3A_292] : memref<14x128xi32, #tpu.memory_space<vmem>> -> memref<1x128xi32, #tpu.memory_space<vmem>>
      %dma_wait3A_294 = tpu.memref_squeeze %dma_wait3A_293 : memref<1x128xi32, #tpu.memory_space<vmem>> -> memref<128xi32, #tpu.memory_space<vmem>>
      %dma_wait3A_295 = arith.constant 0 : i32
      %dma_wait3A_296 = arith.constant 0 : i32
      %dma_wait3A_297 = tpu.memref_slice %arg8[%dma_wait3A_295, %dma_wait3A_296] : memref<100000x16xf32, #tpu.memory_space<vmem_shared>> -> memref<100000x16xf32, #tpu.memory_space<vmem_shared>>
      tpu.wait_indirect_dma semaphore(%arg9 : memref<!tpu.dma_semaphore, #tpu.memory_space<semaphore_mem>>) src(%dma_wait3A_291 : memref<128x16xf32, #tpu.memory_space<vmem>>) dst(%dma_wait3A_297 : memref<100000x16xf32, #tpu.memory_space<vmem_shared>>)
      %dma_wait3A_298 = arith.constant 8 : i32
      %dma_wait3A_299 = arith.constant 1024 : i32
      %dma_wait3A_300 = arith.constant 0 : i32
      %dma_wait3A_301 = tpu.memref_slice %arg6[%dma_wait3A_299, %dma_wait3A_300] : memref<1792x16xf32, #tpu.memory_space<vmem>> -> memref<128x16xf32, #tpu.memory_space<vmem>>
      %dma_wait3A_302 = arith.constant 0 : i32
      %dma_wait3A_303 = tpu.memref_slice %arg7[%dma_wait3A_298, %dma_wait3A_302] : memref<14x128xi32, #tpu.memory_space<vmem>> -> memref<1x128xi32, #tpu.memory_space<vmem>>
      %dma_wait3A_304 = tpu.memref_squeeze %dma_wait3A_303 : memref<1x128xi32, #tpu.memory_space<vmem>> -> memref<128xi32, #tpu.memory_space<vmem>>
      %dma_wait3A_305 = arith.constant 0 : i32
      %dma_wait3A_306 = arith.constant 0 : i32
      %dma_wait3A_307 = tpu.memref_slice %arg8[%dma_wait3A_305, %dma_wait3A_306] : memref<100000x16xf32, #tpu.memory_space<vmem_shared>> -> memref<100000x16xf32, #tpu.memory_space<vmem_shared>>
      tpu.wait_indirect_dma semaphore(%arg9 : memref<!tpu.dma_semaphore, #tpu.memory_space<semaphore_mem>>) src(%dma_wait3A_301 : memref<128x16xf32, #tpu.memory_space<vmem>>) dst(%dma_wait3A_307 : memref<100000x16xf32, #tpu.memory_space<vmem_shared>>)
      %dma_wait3A_308 = arith.constant 9 : i32
      %dma_wait3A_309 = arith.constant 1152 : i32
      %dma_wait3A_310 = arith.constant 0 : i32
      %dma_wait3A_311 = tpu.memref_slice %arg6[%dma_wait3A_309, %dma_wait3A_310] : memref<1792x16xf32, #tpu.memory_space<vmem>> -> memref<128x16xf32, #tpu.memory_space<vmem>>
      %dma_wait3A_312 = arith.constant 0 : i32
      %dma_wait3A_313 = tpu.memref_slice %arg7[%dma_wait3A_308, %dma_wait3A_312] : memref<14x128xi32, #tpu.memory_space<vmem>> -> memref<1x128xi32, #tpu.memory_space<vmem>>
      %dma_wait3A_314 = tpu.memref_squeeze %dma_wait3A_313 : memref<1x128xi32, #tpu.memory_space<vmem>> -> memref<128xi32, #tpu.memory_space<vmem>>
      %dma_wait3A_315 = arith.constant 0 : i32
      %dma_wait3A_316 = arith.constant 0 : i32
      %dma_wait3A_317 = tpu.memref_slice %arg8[%dma_wait3A_315, %dma_wait3A_316] : memref<100000x16xf32, #tpu.memory_space<vmem_shared>> -> memref<100000x16xf32, #tpu.memory_space<vmem_shared>>
      tpu.wait_indirect_dma semaphore(%arg9 : memref<!tpu.dma_semaphore, #tpu.memory_space<semaphore_mem>>) src(%dma_wait3A_311 : memref<128x16xf32, #tpu.memory_space<vmem>>) dst(%dma_wait3A_317 : memref<100000x16xf32, #tpu.memory_space<vmem_shared>>)
      %dma_wait3A_318 = arith.constant 10 : i32
      %dma_wait3A_319 = arith.constant 1280 : i32
      %dma_wait3A_320 = arith.constant 0 : i32
      %dma_wait3A_321 = tpu.memref_slice %arg6[%dma_wait3A_319, %dma_wait3A_320] : memref<1792x16xf32, #tpu.memory_space<vmem>> -> memref<128x16xf32, #tpu.memory_space<vmem>>
      %dma_wait3A_322 = arith.constant 0 : i32
      %dma_wait3A_323 = tpu.memref_slice %arg7[%dma_wait3A_318, %dma_wait3A_322] : memref<14x128xi32, #tpu.memory_space<vmem>> -> memref<1x128xi32, #tpu.memory_space<vmem>>
      %dma_wait3A_324 = tpu.memref_squeeze %dma_wait3A_323 : memref<1x128xi32, #tpu.memory_space<vmem>> -> memref<128xi32, #tpu.memory_space<vmem>>
      %dma_wait3A_325 = arith.constant 0 : i32
      %dma_wait3A_326 = arith.constant 0 : i32
      %dma_wait3A_327 = tpu.memref_slice %arg8[%dma_wait3A_325, %dma_wait3A_326] : memref<100000x16xf32, #tpu.memory_space<vmem_shared>> -> memref<100000x16xf32, #tpu.memory_space<vmem_shared>>
      tpu.wait_indirect_dma semaphore(%arg9 : memref<!tpu.dma_semaphore, #tpu.memory_space<semaphore_mem>>) src(%dma_wait3A_321 : memref<128x16xf32, #tpu.memory_space<vmem>>) dst(%dma_wait3A_327 : memref<100000x16xf32, #tpu.memory_space<vmem_shared>>)
      %dma_wait3A_328 = arith.constant 11 : i32
      %dma_wait3A_329 = arith.constant 1408 : i32
      %dma_wait3A_330 = arith.constant 0 : i32
      %dma_wait3A_331 = tpu.memref_slice %arg6[%dma_wait3A_329, %dma_wait3A_330] : memref<1792x16xf32, #tpu.memory_space<vmem>> -> memref<128x16xf32, #tpu.memory_space<vmem>>
      %dma_wait3A_332 = arith.constant 0 : i32
      %dma_wait3A_333 = tpu.memref_slice %arg7[%dma_wait3A_328, %dma_wait3A_332] : memref<14x128xi32, #tpu.memory_space<vmem>> -> memref<1x128xi32, #tpu.memory_space<vmem>>
      %dma_wait3A_334 = tpu.memref_squeeze %dma_wait3A_333 : memref<1x128xi32, #tpu.memory_space<vmem>> -> memref<128xi32, #tpu.memory_space<vmem>>
      %dma_wait3A_335 = arith.constant 0 : i32
      %dma_wait3A_336 = arith.constant 0 : i32
      %dma_wait3A_337 = tpu.memref_slice %arg8[%dma_wait3A_335, %dma_wait3A_336] : memref<100000x16xf32, #tpu.memory_space<vmem_shared>> -> memref<100000x16xf32, #tpu.memory_space<vmem_shared>>
      tpu.wait_indirect_dma semaphore(%arg9 : memref<!tpu.dma_semaphore, #tpu.memory_space<semaphore_mem>>) src(%dma_wait3A_331 : memref<128x16xf32, #tpu.memory_space<vmem>>) dst(%dma_wait3A_337 : memref<100000x16xf32, #tpu.memory_space<vmem_shared>>)
      %dma_wait3A_338 = arith.constant 12 : i32
      %dma_wait3A_339 = arith.constant 1536 : i32
      %dma_wait3A_340 = arith.constant 0 : i32
      %dma_wait3A_341 = tpu.memref_slice %arg6[%dma_wait3A_339, %dma_wait3A_340] : memref<1792x16xf32, #tpu.memory_space<vmem>> -> memref<128x16xf32, #tpu.memory_space<vmem>>
      %dma_wait3A_342 = arith.constant 0 : i32
      %dma_wait3A_343 = tpu.memref_slice %arg7[%dma_wait3A_338, %dma_wait3A_342] : memref<14x128xi32, #tpu.memory_space<vmem>> -> memref<1x128xi32, #tpu.memory_space<vmem>>
      %dma_wait3A_344 = tpu.memref_squeeze %dma_wait3A_343 : memref<1x128xi32, #tpu.memory_space<vmem>> -> memref<128xi32, #tpu.memory_space<vmem>>
      %dma_wait3A_345 = arith.constant 0 : i32
      %dma_wait3A_346 = arith.constant 0 : i32
      %dma_wait3A_347 = tpu.memref_slice %arg8[%dma_wait3A_345, %dma_wait3A_346] : memref<100000x16xf32, #tpu.memory_space<vmem_shared>> -> memref<100000x16xf32, #tpu.memory_space<vmem_shared>>
      tpu.wait_indirect_dma semaphore(%arg9 : memref<!tpu.dma_semaphore, #tpu.memory_space<semaphore_mem>>) src(%dma_wait3A_341 : memref<128x16xf32, #tpu.memory_space<vmem>>) dst(%dma_wait3A_347 : memref<100000x16xf32, #tpu.memory_space<vmem_shared>>)
      %dma_wait3A_348 = arith.constant 13 : i32
      %dma_wait3A_349 = arith.constant 1664 : i32
      %dma_wait3A_350 = arith.constant 0 : i32
      %dma_wait3A_351 = tpu.memref_slice %arg6[%dma_wait3A_349, %dma_wait3A_350] : memref<1792x16xf32, #tpu.memory_space<vmem>> -> memref<128x16xf32, #tpu.memory_space<vmem>>
      %dma_wait3A_352 = arith.constant 0 : i32
      %dma_wait3A_353 = tpu.memref_slice %arg7[%dma_wait3A_348, %dma_wait3A_352] : memref<14x128xi32, #tpu.memory_space<vmem>> -> memref<1x128xi32, #tpu.memory_space<vmem>>
      %dma_wait3A_354 = tpu.memref_squeeze %dma_wait3A_353 : memref<1x128xi32, #tpu.memory_space<vmem>> -> memref<128xi32, #tpu.memory_space<vmem>>
      %dma_wait3A_355 = arith.constant 0 : i32
      %dma_wait3A_356 = arith.constant 0 : i32
      %dma_wait3A_357 = tpu.memref_slice %arg8[%dma_wait3A_355, %dma_wait3A_356] : memref<100000x16xf32, #tpu.memory_space<vmem_shared>> -> memref<100000x16xf32, #tpu.memory_space<vmem_shared>>
      tpu.wait_indirect_dma semaphore(%arg9 : memref<!tpu.dma_semaphore, #tpu.memory_space<semaphore_mem>>) src(%dma_wait3A_351 : memref<128x16xf32, #tpu.memory_space<vmem>>) dst(%dma_wait3A_357 : memref<100000x16xf32, #tpu.memory_space<vmem_shared>>)
      %while3A_358 = arith.constant 0 : i32
      scf.yield %while3A_358 : i32
    }
    %eq3A_36 = arith.constant 15 : i32
    %eq3A_37 = arith.cmpi eq, %arg1, %eq3A_36 : i32
    %convert_element_type3A_38 = arith.extui %eq3A_37 : i1 to i32
    %cond3A_39 = arith.constant 0 : i32
    %cond3A_40 = arith.cmpi ne, %convert_element_type3A_38, %cond3A_39 : i32
    scf.if %cond3A_40 {
      %add3A_52 = arith.constant 1470 : i32
      %add3A_53 = arith.addi %mul3A_19, %add3A_52 : i32
      %mul3A_54 = arith.constant 128 : i32
      %mul3A_55 = arith.muli %add3A_53, %mul3A_54 : i32
      %dma_start3A = arith.constant 0 : i32
      %dma_start3A_56 = arith.constant 0 : i32
      %dma_start3A_57 = tpu.memref_slice %arg6[%dma_start3A, %dma_start3A_56] : memref<1792x16xf32, #tpu.memory_space<vmem>> -> memref<1280x16xf32, #tpu.memory_space<vmem>>
      %dma_start3A_58 = arith.constant 0 : i32
      %dma_start3A_59 = tpu.memref_slice %arg2[%mul3A_55, %dma_start3A_58] : memref<3200000x16xf32, #tpu.memory_space<hbm>> -> memref<1280x16xf32, #tpu.memory_space<hbm>>
      %dma_start3A_60 = arith.constant 0 : i32
      %dma_start3A_61 = arith.constant 0 : i32
      %dma_start3A_62 = tpu.memref_slice %arg6[%dma_start3A_60, %dma_start3A_61] : memref<1792x16xf32, #tpu.memory_space<vmem>> -> memref<1280x16xf32, #tpu.memory_space<vmem>>
      %dma_start3A_63 = arith.constant 0 : i32
      %dma_start3A_64 = tpu.memref_slice %arg2[%mul3A_55, %dma_start3A_63] : memref<3200000x16xf32, #tpu.memory_space<hbm>> -> memref<1280x16xf32, #tpu.memory_space<hbm>>
      tpu.enqueue_dma source(%dma_start3A_64 : memref<1280x16xf32, #tpu.memory_space<hbm>>) target(%dma_start3A_62 : memref<1280x16xf32, #tpu.memory_space<vmem>>) target_semaphore(%arg9 : memref<!tpu.dma_semaphore, #tpu.memory_space<semaphore_mem>>)
      %dma_start3A_65 = arith.constant 0 : i32
      %dma_start3A_66 = arith.constant 0 : i32
      %dma_start3A_67 = tpu.memref_slice %arg7[%dma_start3A_65, %dma_start3A_66] : memref<14x128xi32, #tpu.memory_space<vmem>> -> memref<10x128xi32, #tpu.memory_space<vmem>>
      %dma_start3A_68 = arith.constant 0 : i32
      %dma_start3A_69 = tpu.memref_slice %arg3[%arg0, %add3A_53, %dma_start3A_68] : memref<2x25000x128xi32, #tpu.memory_space<hbm>> -> memref<1x10x128xi32, #tpu.memory_space<hbm>>
      %dma_start3A_70 = tpu.memref_squeeze %dma_start3A_69 : memref<1x10x128xi32, #tpu.memory_space<hbm>> -> memref<10x128xi32, #tpu.memory_space<hbm>>
      %dma_start3A_71 = arith.constant 0 : i32
      %dma_start3A_72 = arith.constant 0 : i32
      %dma_start3A_73 = tpu.memref_slice %arg7[%dma_start3A_71, %dma_start3A_72] : memref<14x128xi32, #tpu.memory_space<vmem>> -> memref<10x128xi32, #tpu.memory_space<vmem>>
      %dma_start3A_74 = arith.constant 0 : i32
      %dma_start3A_75 = tpu.memref_slice %arg3[%arg0, %add3A_53, %dma_start3A_74] : memref<2x25000x128xi32, #tpu.memory_space<hbm>> -> memref<1x10x128xi32, #tpu.memory_space<hbm>>
      %dma_start3A_76 = tpu.memref_squeeze %dma_start3A_75 : memref<1x10x128xi32, #tpu.memory_space<hbm>> -> memref<10x128xi32, #tpu.memory_space<hbm>>
      tpu.enqueue_dma source(%dma_start3A_76 : memref<10x128xi32, #tpu.memory_space<hbm>>) target(%dma_start3A_73 : memref<10x128xi32, #tpu.memory_space<vmem>>) target_semaphore(%arg9 : memref<!tpu.dma_semaphore, #tpu.memory_space<semaphore_mem>>)
      %dma_wait3A = arith.constant 0 : i32
      %dma_wait3A_77 = arith.constant 0 : i32
      %dma_wait3A_78 = tpu.memref_slice %arg6[%dma_wait3A, %dma_wait3A_77] : memref<1792x16xf32, #tpu.memory_space<vmem>> -> memref<1280x16xf32, #tpu.memory_space<vmem>>
      %dma_wait3A_79 = arith.constant 0 : i32
      %dma_wait3A_80 = tpu.memref_slice %arg2[%mul3A_55, %dma_wait3A_79] : memref<3200000x16xf32, #tpu.memory_space<hbm>> -> memref<1280x16xf32, #tpu.memory_space<hbm>>
      %dma_wait3A_81 = arith.constant 0 : i32
      %dma_wait3A_82 = arith.constant 0 : i32
      %dma_wait3A_83 = tpu.memref_slice %arg6[%dma_wait3A_81, %dma_wait3A_82] : memref<1792x16xf32, #tpu.memory_space<vmem>> -> memref<1280x16xf32, #tpu.memory_space<vmem>>
      %dma_wait3A_84 = arith.constant 0 : i32
      %dma_wait3A_85 = tpu.memref_slice %arg2[%mul3A_55, %dma_wait3A_84] : memref<3200000x16xf32, #tpu.memory_space<hbm>> -> memref<1280x16xf32, #tpu.memory_space<hbm>>
      tpu.wait_dma2 semaphore(%arg9 : memref<!tpu.dma_semaphore, #tpu.memory_space<semaphore_mem>>) src(%dma_wait3A_85 : memref<1280x16xf32, #tpu.memory_space<hbm>>) dst(%dma_wait3A_83 : memref<1280x16xf32, #tpu.memory_space<vmem>>)
      %dma_wait3A_86 = arith.constant 0 : i32
      %dma_wait3A_87 = arith.constant 0 : i32
      %dma_wait3A_88 = tpu.memref_slice %arg7[%dma_wait3A_86, %dma_wait3A_87] : memref<14x128xi32, #tpu.memory_space<vmem>> -> memref<10x128xi32, #tpu.memory_space<vmem>>
      %dma_wait3A_89 = arith.constant 0 : i32
      %dma_wait3A_90 = tpu.memref_slice %arg3[%arg0, %add3A_53, %dma_wait3A_89] : memref<2x25000x128xi32, #tpu.memory_space<hbm>> -> memref<1x10x128xi32, #tpu.memory_space<hbm>>
      %dma_wait3A_91 = tpu.memref_squeeze %dma_wait3A_90 : memref<1x10x128xi32, #tpu.memory_space<hbm>> -> memref<10x128xi32, #tpu.memory_space<hbm>>
      %dma_wait3A_92 = arith.constant 0 : i32
      %dma_wait3A_93 = arith.constant 0 : i32
      %dma_wait3A_94 = tpu.memref_slice %arg7[%dma_wait3A_92, %dma_wait3A_93] : memref<14x128xi32, #tpu.memory_space<vmem>> -> memref<10x128xi32, #tpu.memory_space<vmem>>
      %dma_wait3A_95 = arith.constant 0 : i32
      %dma_wait3A_96 = tpu.memref_slice %arg3[%arg0, %add3A_53, %dma_wait3A_95] : memref<2x25000x128xi32, #tpu.memory_space<hbm>> -> memref<1x10x128xi32, #tpu.memory_space<hbm>>
      %dma_wait3A_97 = tpu.memref_squeeze %dma_wait3A_96 : memref<1x10x128xi32, #tpu.memory_space<hbm>> -> memref<10x128xi32, #tpu.memory_space<hbm>>
      tpu.wait_dma2 semaphore(%arg9 : memref<!tpu.dma_semaphore, #tpu.memory_space<semaphore_mem>>) src(%dma_wait3A_97 : memref<10x128xi32, #tpu.memory_space<hbm>>) dst(%dma_wait3A_94 : memref<10x128xi32, #tpu.memory_space<vmem>>)
      %dma_start3A_98 = arith.constant 0 : i32
      %dma_start3A_99 = arith.constant 0 : i32
      %dma_start3A_100 = arith.constant 0 : i32
      %dma_start3A_101 = tpu.memref_slice %arg6[%dma_start3A_99, %dma_start3A_100] : memref<1792x16xf32, #tpu.memory_space<vmem>> -> memref<128x16xf32, #tpu.memory_space<vmem>>
      %dma_start3A_102 = arith.constant 0 : i32
      %dma_start3A_103 = tpu.memref_slice %arg7[%dma_start3A_98, %dma_start3A_102] : memref<14x128xi32, #tpu.memory_space<vmem>> -> memref<1x128xi32, #tpu.memory_space<vmem>>
      %dma_start3A_104 = tpu.memref_squeeze %dma_start3A_103 : memref<1x128xi32, #tpu.memory_space<vmem>> -> memref<128xi32, #tpu.memory_space<vmem>>
      %dma_start3A_105 = arith.constant 0 : i32
      %dma_start3A_106 = arith.constant 0 : i32
      %dma_start3A_107 = tpu.memref_slice %arg8[%dma_start3A_105, %dma_start3A_106] : memref<100000x16xf32, #tpu.memory_space<vmem_shared>> -> memref<100000x16xf32, #tpu.memory_space<vmem_shared>>
      tpu.enqueue_indirect_dma source(%dma_start3A_101 : memref<128x16xf32, #tpu.memory_space<vmem>>) target(%dma_start3A_107 : memref<100000x16xf32, #tpu.memory_space<vmem_shared>>) offsets(%dma_start3A_104 : memref<128xi32, #tpu.memory_space<vmem>>) semaphore(%arg9 : memref<!tpu.dma_semaphore, #tpu.memory_space<semaphore_mem>>) {add = true}
      %dma_start3A_108 = arith.constant 1 : i32
      %dma_start3A_109 = arith.constant 128 : i32
      %dma_start3A_110 = arith.constant 0 : i32
      %dma_start3A_111 = tpu.memref_slice %arg6[%dma_start3A_109, %dma_start3A_110] : memref<1792x16xf32, #tpu.memory_space<vmem>> -> memref<128x16xf32, #tpu.memory_space<vmem>>
      %dma_start3A_112 = arith.constant 0 : i32
      %dma_start3A_113 = tpu.memref_slice %arg7[%dma_start3A_108, %dma_start3A_112] : memref<14x128xi32, #tpu.memory_space<vmem>> -> memref<1x128xi32, #tpu.memory_space<vmem>>
      %dma_start3A_114 = tpu.memref_squeeze %dma_start3A_113 : memref<1x128xi32, #tpu.memory_space<vmem>> -> memref<128xi32, #tpu.memory_space<vmem>>
      %dma_start3A_115 = arith.constant 0 : i32
      %dma_start3A_116 = arith.constant 0 : i32
      %dma_start3A_117 = tpu.memref_slice %arg8[%dma_start3A_115, %dma_start3A_116] : memref<100000x16xf32, #tpu.memory_space<vmem_shared>> -> memref<100000x16xf32, #tpu.memory_space<vmem_shared>>
      tpu.enqueue_indirect_dma source(%dma_start3A_111 : memref<128x16xf32, #tpu.memory_space<vmem>>) target(%dma_start3A_117 : memref<100000x16xf32, #tpu.memory_space<vmem_shared>>) offsets(%dma_start3A_114 : memref<128xi32, #tpu.memory_space<vmem>>) semaphore(%arg9 : memref<!tpu.dma_semaphore, #tpu.memory_space<semaphore_mem>>) {add = true}
      %dma_start3A_118 = arith.constant 2 : i32
      %dma_start3A_119 = arith.constant 256 : i32
      %dma_start3A_120 = arith.constant 0 : i32
      %dma_start3A_121 = tpu.memref_slice %arg6[%dma_start3A_119, %dma_start3A_120] : memref<1792x16xf32, #tpu.memory_space<vmem>> -> memref<128x16xf32, #tpu.memory_space<vmem>>
      %dma_start3A_122 = arith.constant 0 : i32
      %dma_start3A_123 = tpu.memref_slice %arg7[%dma_start3A_118, %dma_start3A_122] : memref<14x128xi32, #tpu.memory_space<vmem>> -> memref<1x128xi32, #tpu.memory_space<vmem>>
      %dma_start3A_124 = tpu.memref_squeeze %dma_start3A_123 : memref<1x128xi32, #tpu.memory_space<vmem>> -> memref<128xi32, #tpu.memory_space<vmem>>
      %dma_start3A_125 = arith.constant 0 : i32
      %dma_start3A_126 = arith.constant 0 : i32
      %dma_start3A_127 = tpu.memref_slice %arg8[%dma_start3A_125, %dma_start3A_126] : memref<100000x16xf32, #tpu.memory_space<vmem_shared>> -> memref<100000x16xf32, #tpu.memory_space<vmem_shared>>
      tpu.enqueue_indirect_dma source(%dma_start3A_121 : memref<128x16xf32, #tpu.memory_space<vmem>>) target(%dma_start3A_127 : memref<100000x16xf32, #tpu.memory_space<vmem_shared>>) offsets(%dma_start3A_124 : memref<128xi32, #tpu.memory_space<vmem>>) semaphore(%arg9 : memref<!tpu.dma_semaphore, #tpu.memory_space<semaphore_mem>>) {add = true}
      %dma_start3A_128 = arith.constant 3 : i32
      %dma_start3A_129 = arith.constant 384 : i32
      %dma_start3A_130 = arith.constant 0 : i32
      %dma_start3A_131 = tpu.memref_slice %arg6[%dma_start3A_129, %dma_start3A_130] : memref<1792x16xf32, #tpu.memory_space<vmem>> -> memref<128x16xf32, #tpu.memory_space<vmem>>
      %dma_start3A_132 = arith.constant 0 : i32
      %dma_start3A_133 = tpu.memref_slice %arg7[%dma_start3A_128, %dma_start3A_132] : memref<14x128xi32, #tpu.memory_space<vmem>> -> memref<1x128xi32, #tpu.memory_space<vmem>>
      %dma_start3A_134 = tpu.memref_squeeze %dma_start3A_133 : memref<1x128xi32, #tpu.memory_space<vmem>> -> memref<128xi32, #tpu.memory_space<vmem>>
      %dma_start3A_135 = arith.constant 0 : i32
      %dma_start3A_136 = arith.constant 0 : i32
      %dma_start3A_137 = tpu.memref_slice %arg8[%dma_start3A_135, %dma_start3A_136] : memref<100000x16xf32, #tpu.memory_space<vmem_shared>> -> memref<100000x16xf32, #tpu.memory_space<vmem_shared>>
      tpu.enqueue_indirect_dma source(%dma_start3A_131 : memref<128x16xf32, #tpu.memory_space<vmem>>) target(%dma_start3A_137 : memref<100000x16xf32, #tpu.memory_space<vmem_shared>>) offsets(%dma_start3A_134 : memref<128xi32, #tpu.memory_space<vmem>>) semaphore(%arg9 : memref<!tpu.dma_semaphore, #tpu.memory_space<semaphore_mem>>) {add = true}
      %dma_start3A_138 = arith.constant 4 : i32
      %dma_start3A_139 = arith.constant 512 : i32
      %dma_start3A_140 = arith.constant 0 : i32
      %dma_start3A_141 = tpu.memref_slice %arg6[%dma_start3A_139, %dma_start3A_140] : memref<1792x16xf32, #tpu.memory_space<vmem>> -> memref<128x16xf32, #tpu.memory_space<vmem>>
      %dma_start3A_142 = arith.constant 0 : i32
      %dma_start3A_143 = tpu.memref_slice %arg7[%dma_start3A_138, %dma_start3A_142] : memref<14x128xi32, #tpu.memory_space<vmem>> -> memref<1x128xi32, #tpu.memory_space<vmem>>
      %dma_start3A_144 = tpu.memref_squeeze %dma_start3A_143 : memref<1x128xi32, #tpu.memory_space<vmem>> -> memref<128xi32, #tpu.memory_space<vmem>>
      %dma_start3A_145 = arith.constant 0 : i32
      %dma_start3A_146 = arith.constant 0 : i32
      %dma_start3A_147 = tpu.memref_slice %arg8[%dma_start3A_145, %dma_start3A_146] : memref<100000x16xf32, #tpu.memory_space<vmem_shared>> -> memref<100000x16xf32, #tpu.memory_space<vmem_shared>>
      tpu.enqueue_indirect_dma source(%dma_start3A_141 : memref<128x16xf32, #tpu.memory_space<vmem>>) target(%dma_start3A_147 : memref<100000x16xf32, #tpu.memory_space<vmem_shared>>) offsets(%dma_start3A_144 : memref<128xi32, #tpu.memory_space<vmem>>) semaphore(%arg9 : memref<!tpu.dma_semaphore, #tpu.memory_space<semaphore_mem>>) {add = true}
      %dma_start3A_148 = arith.constant 5 : i32
      %dma_start3A_149 = arith.constant 640 : i32
      %dma_start3A_150 = arith.constant 0 : i32
      %dma_start3A_151 = tpu.memref_slice %arg6[%dma_start3A_149, %dma_start3A_150] : memref<1792x16xf32, #tpu.memory_space<vmem>> -> memref<128x16xf32, #tpu.memory_space<vmem>>
      %dma_start3A_152 = arith.constant 0 : i32
      %dma_start3A_153 = tpu.memref_slice %arg7[%dma_start3A_148, %dma_start3A_152] : memref<14x128xi32, #tpu.memory_space<vmem>> -> memref<1x128xi32, #tpu.memory_space<vmem>>
      %dma_start3A_154 = tpu.memref_squeeze %dma_start3A_153 : memref<1x128xi32, #tpu.memory_space<vmem>> -> memref<128xi32, #tpu.memory_space<vmem>>
      %dma_start3A_155 = arith.constant 0 : i32
      %dma_start3A_156 = arith.constant 0 : i32
      %dma_start3A_157 = tpu.memref_slice %arg8[%dma_start3A_155, %dma_start3A_156] : memref<100000x16xf32, #tpu.memory_space<vmem_shared>> -> memref<100000x16xf32, #tpu.memory_space<vmem_shared>>
      tpu.enqueue_indirect_dma source(%dma_start3A_151 : memref<128x16xf32, #tpu.memory_space<vmem>>) target(%dma_start3A_157 : memref<100000x16xf32, #tpu.memory_space<vmem_shared>>) offsets(%dma_start3A_154 : memref<128xi32, #tpu.memory_space<vmem>>) semaphore(%arg9 : memref<!tpu.dma_semaphore, #tpu.memory_space<semaphore_mem>>) {add = true}
      %dma_start3A_158 = arith.constant 6 : i32
      %dma_start3A_159 = arith.constant 768 : i32
      %dma_start3A_160 = arith.constant 0 : i32
      %dma_start3A_161 = tpu.memref_slice %arg6[%dma_start3A_159, %dma_start3A_160] : memref<1792x16xf32, #tpu.memory_space<vmem>> -> memref<128x16xf32, #tpu.memory_space<vmem>>
      %dma_start3A_162 = arith.constant 0 : i32
      %dma_start3A_163 = tpu.memref_slice %arg7[%dma_start3A_158, %dma_start3A_162] : memref<14x128xi32, #tpu.memory_space<vmem>> -> memref<1x128xi32, #tpu.memory_space<vmem>>
      %dma_start3A_164 = tpu.memref_squeeze %dma_start3A_163 : memref<1x128xi32, #tpu.memory_space<vmem>> -> memref<128xi32, #tpu.memory_space<vmem>>
      %dma_start3A_165 = arith.constant 0 : i32
      %dma_start3A_166 = arith.constant 0 : i32
      %dma_start3A_167 = tpu.memref_slice %arg8[%dma_start3A_165, %dma_start3A_166] : memref<100000x16xf32, #tpu.memory_space<vmem_shared>> -> memref<100000x16xf32, #tpu.memory_space<vmem_shared>>
      tpu.enqueue_indirect_dma source(%dma_start3A_161 : memref<128x16xf32, #tpu.memory_space<vmem>>) target(%dma_start3A_167 : memref<100000x16xf32, #tpu.memory_space<vmem_shared>>) offsets(%dma_start3A_164 : memref<128xi32, #tpu.memory_space<vmem>>) semaphore(%arg9 : memref<!tpu.dma_semaphore, #tpu.memory_space<semaphore_mem>>) {add = true}
      %dma_start3A_168 = arith.constant 7 : i32
      %dma_start3A_169 = arith.constant 896 : i32
      %dma_start3A_170 = arith.constant 0 : i32
      %dma_start3A_171 = tpu.memref_slice %arg6[%dma_start3A_169, %dma_start3A_170] : memref<1792x16xf32, #tpu.memory_space<vmem>> -> memref<128x16xf32, #tpu.memory_space<vmem>>
      %dma_start3A_172 = arith.constant 0 : i32
      %dma_start3A_173 = tpu.memref_slice %arg7[%dma_start3A_168, %dma_start3A_172] : memref<14x128xi32, #tpu.memory_space<vmem>> -> memref<1x128xi32, #tpu.memory_space<vmem>>
      %dma_start3A_174 = tpu.memref_squeeze %dma_start3A_173 : memref<1x128xi32, #tpu.memory_space<vmem>> -> memref<128xi32, #tpu.memory_space<vmem>>
      %dma_start3A_175 = arith.constant 0 : i32
      %dma_start3A_176 = arith.constant 0 : i32
      %dma_start3A_177 = tpu.memref_slice %arg8[%dma_start3A_175, %dma_start3A_176] : memref<100000x16xf32, #tpu.memory_space<vmem_shared>> -> memref<100000x16xf32, #tpu.memory_space<vmem_shared>>
      tpu.enqueue_indirect_dma source(%dma_start3A_171 : memref<128x16xf32, #tpu.memory_space<vmem>>) target(%dma_start3A_177 : memref<100000x16xf32, #tpu.memory_space<vmem_shared>>) offsets(%dma_start3A_174 : memref<128xi32, #tpu.memory_space<vmem>>) semaphore(%arg9 : memref<!tpu.dma_semaphore, #tpu.memory_space<semaphore_mem>>) {add = true}
      %dma_start3A_178 = arith.constant 8 : i32
      %dma_start3A_179 = arith.constant 1024 : i32
      %dma_start3A_180 = arith.constant 0 : i32
      %dma_start3A_181 = tpu.memref_slice %arg6[%dma_start3A_179, %dma_start3A_180] : memref<1792x16xf32, #tpu.memory_space<vmem>> -> memref<128x16xf32, #tpu.memory_space<vmem>>
      %dma_start3A_182 = arith.constant 0 : i32
      %dma_start3A_183 = tpu.memref_slice %arg7[%dma_start3A_178, %dma_start3A_182] : memref<14x128xi32, #tpu.memory_space<vmem>> -> memref<1x128xi32, #tpu.memory_space<vmem>>
      %dma_start3A_184 = tpu.memref_squeeze %dma_start3A_183 : memref<1x128xi32, #tpu.memory_space<vmem>> -> memref<128xi32, #tpu.memory_space<vmem>>
      %dma_start3A_185 = arith.constant 0 : i32
      %dma_start3A_186 = arith.constant 0 : i32
      %dma_start3A_187 = tpu.memref_slice %arg8[%dma_start3A_185, %dma_start3A_186] : memref<100000x16xf32, #tpu.memory_space<vmem_shared>> -> memref<100000x16xf32, #tpu.memory_space<vmem_shared>>
      tpu.enqueue_indirect_dma source(%dma_start3A_181 : memref<128x16xf32, #tpu.memory_space<vmem>>) target(%dma_start3A_187 : memref<100000x16xf32, #tpu.memory_space<vmem_shared>>) offsets(%dma_start3A_184 : memref<128xi32, #tpu.memory_space<vmem>>) semaphore(%arg9 : memref<!tpu.dma_semaphore, #tpu.memory_space<semaphore_mem>>) {add = true}
      %dma_start3A_188 = arith.constant 9 : i32
      %dma_start3A_189 = arith.constant 1152 : i32
      %dma_start3A_190 = arith.constant 0 : i32
      %dma_start3A_191 = tpu.memref_slice %arg6[%dma_start3A_189, %dma_start3A_190] : memref<1792x16xf32, #tpu.memory_space<vmem>> -> memref<128x16xf32, #tpu.memory_space<vmem>>
      %dma_start3A_192 = arith.constant 0 : i32
      %dma_start3A_193 = tpu.memref_slice %arg7[%dma_start3A_188, %dma_start3A_192] : memref<14x128xi32, #tpu.memory_space<vmem>> -> memref<1x128xi32, #tpu.memory_space<vmem>>
      %dma_start3A_194 = tpu.memref_squeeze %dma_start3A_193 : memref<1x128xi32, #tpu.memory_space<vmem>> -> memref<128xi32, #tpu.memory_space<vmem>>
      %dma_start3A_195 = arith.constant 0 : i32
      %dma_start3A_196 = arith.constant 0 : i32
      %dma_start3A_197 = tpu.memref_slice %arg8[%dma_start3A_195, %dma_start3A_196] : memref<100000x16xf32, #tpu.memory_space<vmem_shared>> -> memref<100000x16xf32, #tpu.memory_space<vmem_shared>>
      tpu.enqueue_indirect_dma source(%dma_start3A_191 : memref<128x16xf32, #tpu.memory_space<vmem>>) target(%dma_start3A_197 : memref<100000x16xf32, #tpu.memory_space<vmem_shared>>) offsets(%dma_start3A_194 : memref<128xi32, #tpu.memory_space<vmem>>) semaphore(%arg9 : memref<!tpu.dma_semaphore, #tpu.memory_space<semaphore_mem>>) {add = true}
      %dma_wait3A_198 = arith.constant 0 : i32
      %dma_wait3A_199 = arith.constant 0 : i32
      %dma_wait3A_200 = arith.constant 0 : i32
      %dma_wait3A_201 = tpu.memref_slice %arg6[%dma_wait3A_199, %dma_wait3A_200] : memref<1792x16xf32, #tpu.memory_space<vmem>> -> memref<128x16xf32, #tpu.memory_space<vmem>>
      %dma_wait3A_202 = arith.constant 0 : i32
      %dma_wait3A_203 = tpu.memref_slice %arg7[%dma_wait3A_198, %dma_wait3A_202] : memref<14x128xi32, #tpu.memory_space<vmem>> -> memref<1x128xi32, #tpu.memory_space<vmem>>
      %dma_wait3A_204 = tpu.memref_squeeze %dma_wait3A_203 : memref<1x128xi32, #tpu.memory_space<vmem>> -> memref<128xi32, #tpu.memory_space<vmem>>
      %dma_wait3A_205 = arith.constant 0 : i32
      %dma_wait3A_206 = arith.constant 0 : i32
      %dma_wait3A_207 = tpu.memref_slice %arg8[%dma_wait3A_205, %dma_wait3A_206] : memref<100000x16xf32, #tpu.memory_space<vmem_shared>> -> memref<100000x16xf32, #tpu.memory_space<vmem_shared>>
      tpu.wait_indirect_dma semaphore(%arg9 : memref<!tpu.dma_semaphore, #tpu.memory_space<semaphore_mem>>) src(%dma_wait3A_201 : memref<128x16xf32, #tpu.memory_space<vmem>>) dst(%dma_wait3A_207 : memref<100000x16xf32, #tpu.memory_space<vmem_shared>>)
      %dma_wait3A_208 = arith.constant 1 : i32
      %dma_wait3A_209 = arith.constant 128 : i32
      %dma_wait3A_210 = arith.constant 0 : i32
      %dma_wait3A_211 = tpu.memref_slice %arg6[%dma_wait3A_209, %dma_wait3A_210] : memref<1792x16xf32, #tpu.memory_space<vmem>> -> memref<128x16xf32, #tpu.memory_space<vmem>>
      %dma_wait3A_212 = arith.constant 0 : i32
      %dma_wait3A_213 = tpu.memref_slice %arg7[%dma_wait3A_208, %dma_wait3A_212] : memref<14x128xi32, #tpu.memory_space<vmem>> -> memref<1x128xi32, #tpu.memory_space<vmem>>
      %dma_wait3A_214 = tpu.memref_squeeze %dma_wait3A_213 : memref<1x128xi32, #tpu.memory_space<vmem>> -> memref<128xi32, #tpu.memory_space<vmem>>
      %dma_wait3A_215 = arith.constant 0 : i32
      %dma_wait3A_216 = arith.constant 0 : i32
      %dma_wait3A_217 = tpu.memref_slice %arg8[%dma_wait3A_215, %dma_wait3A_216] : memref<100000x16xf32, #tpu.memory_space<vmem_shared>> -> memref<100000x16xf32, #tpu.memory_space<vmem_shared>>
      tpu.wait_indirect_dma semaphore(%arg9 : memref<!tpu.dma_semaphore, #tpu.memory_space<semaphore_mem>>) src(%dma_wait3A_211 : memref<128x16xf32, #tpu.memory_space<vmem>>) dst(%dma_wait3A_217 : memref<100000x16xf32, #tpu.memory_space<vmem_shared>>)
      %dma_wait3A_218 = arith.constant 2 : i32
      %dma_wait3A_219 = arith.constant 256 : i32
      %dma_wait3A_220 = arith.constant 0 : i32
      %dma_wait3A_221 = tpu.memref_slice %arg6[%dma_wait3A_219, %dma_wait3A_220] : memref<1792x16xf32, #tpu.memory_space<vmem>> -> memref<128x16xf32, #tpu.memory_space<vmem>>
      %dma_wait3A_222 = arith.constant 0 : i32
      %dma_wait3A_223 = tpu.memref_slice %arg7[%dma_wait3A_218, %dma_wait3A_222] : memref<14x128xi32, #tpu.memory_space<vmem>> -> memref<1x128xi32, #tpu.memory_space<vmem>>
      %dma_wait3A_224 = tpu.memref_squeeze %dma_wait3A_223 : memref<1x128xi32, #tpu.memory_space<vmem>> -> memref<128xi32, #tpu.memory_space<vmem>>
      %dma_wait3A_225 = arith.constant 0 : i32
      %dma_wait3A_226 = arith.constant 0 : i32
      %dma_wait3A_227 = tpu.memref_slice %arg8[%dma_wait3A_225, %dma_wait3A_226] : memref<100000x16xf32, #tpu.memory_space<vmem_shared>> -> memref<100000x16xf32, #tpu.memory_space<vmem_shared>>
      tpu.wait_indirect_dma semaphore(%arg9 : memref<!tpu.dma_semaphore, #tpu.memory_space<semaphore_mem>>) src(%dma_wait3A_221 : memref<128x16xf32, #tpu.memory_space<vmem>>) dst(%dma_wait3A_227 : memref<100000x16xf32, #tpu.memory_space<vmem_shared>>)
      %dma_wait3A_228 = arith.constant 3 : i32
      %dma_wait3A_229 = arith.constant 384 : i32
      %dma_wait3A_230 = arith.constant 0 : i32
      %dma_wait3A_231 = tpu.memref_slice %arg6[%dma_wait3A_229, %dma_wait3A_230] : memref<1792x16xf32, #tpu.memory_space<vmem>> -> memref<128x16xf32, #tpu.memory_space<vmem>>
      %dma_wait3A_232 = arith.constant 0 : i32
      %dma_wait3A_233 = tpu.memref_slice %arg7[%dma_wait3A_228, %dma_wait3A_232] : memref<14x128xi32, #tpu.memory_space<vmem>> -> memref<1x128xi32, #tpu.memory_space<vmem>>
      %dma_wait3A_234 = tpu.memref_squeeze %dma_wait3A_233 : memref<1x128xi32, #tpu.memory_space<vmem>> -> memref<128xi32, #tpu.memory_space<vmem>>
      %dma_wait3A_235 = arith.constant 0 : i32
      %dma_wait3A_236 = arith.constant 0 : i32
      %dma_wait3A_237 = tpu.memref_slice %arg8[%dma_wait3A_235, %dma_wait3A_236] : memref<100000x16xf32, #tpu.memory_space<vmem_shared>> -> memref<100000x16xf32, #tpu.memory_space<vmem_shared>>
      tpu.wait_indirect_dma semaphore(%arg9 : memref<!tpu.dma_semaphore, #tpu.memory_space<semaphore_mem>>) src(%dma_wait3A_231 : memref<128x16xf32, #tpu.memory_space<vmem>>) dst(%dma_wait3A_237 : memref<100000x16xf32, #tpu.memory_space<vmem_shared>>)
      %dma_wait3A_238 = arith.constant 4 : i32
      %dma_wait3A_239 = arith.constant 512 : i32
      %dma_wait3A_240 = arith.constant 0 : i32
      %dma_wait3A_241 = tpu.memref_slice %arg6[%dma_wait3A_239, %dma_wait3A_240] : memref<1792x16xf32, #tpu.memory_space<vmem>> -> memref<128x16xf32, #tpu.memory_space<vmem>>
      %dma_wait3A_242 = arith.constant 0 : i32
      %dma_wait3A_243 = tpu.memref_slice %arg7[%dma_wait3A_238, %dma_wait3A_242] : memref<14x128xi32, #tpu.memory_space<vmem>> -> memref<1x128xi32, #tpu.memory_space<vmem>>
      %dma_wait3A_244 = tpu.memref_squeeze %dma_wait3A_243 : memref<1x128xi32, #tpu.memory_space<vmem>> -> memref<128xi32, #tpu.memory_space<vmem>>
      %dma_wait3A_245 = arith.constant 0 : i32
      %dma_wait3A_246 = arith.constant 0 : i32
      %dma_wait3A_247 = tpu.memref_slice %arg8[%dma_wait3A_245, %dma_wait3A_246] : memref<100000x16xf32, #tpu.memory_space<vmem_shared>> -> memref<100000x16xf32, #tpu.memory_space<vmem_shared>>
      tpu.wait_indirect_dma semaphore(%arg9 : memref<!tpu.dma_semaphore, #tpu.memory_space<semaphore_mem>>) src(%dma_wait3A_241 : memref<128x16xf32, #tpu.memory_space<vmem>>) dst(%dma_wait3A_247 : memref<100000x16xf32, #tpu.memory_space<vmem_shared>>)
      %dma_wait3A_248 = arith.constant 5 : i32
      %dma_wait3A_249 = arith.constant 640 : i32
      %dma_wait3A_250 = arith.constant 0 : i32
      %dma_wait3A_251 = tpu.memref_slice %arg6[%dma_wait3A_249, %dma_wait3A_250] : memref<1792x16xf32, #tpu.memory_space<vmem>> -> memref<128x16xf32, #tpu.memory_space<vmem>>
      %dma_wait3A_252 = arith.constant 0 : i32
      %dma_wait3A_253 = tpu.memref_slice %arg7[%dma_wait3A_248, %dma_wait3A_252] : memref<14x128xi32, #tpu.memory_space<vmem>> -> memref<1x128xi32, #tpu.memory_space<vmem>>
      %dma_wait3A_254 = tpu.memref_squeeze %dma_wait3A_253 : memref<1x128xi32, #tpu.memory_space<vmem>> -> memref<128xi32, #tpu.memory_space<vmem>>
      %dma_wait3A_255 = arith.constant 0 : i32
      %dma_wait3A_256 = arith.constant 0 : i32
      %dma_wait3A_257 = tpu.memref_slice %arg8[%dma_wait3A_255, %dma_wait3A_256] : memref<100000x16xf32, #tpu.memory_space<vmem_shared>> -> memref<100000x16xf32, #tpu.memory_space<vmem_shared>>
      tpu.wait_indirect_dma semaphore(%arg9 : memref<!tpu.dma_semaphore, #tpu.memory_space<semaphore_mem>>) src(%dma_wait3A_251 : memref<128x16xf32, #tpu.memory_space<vmem>>) dst(%dma_wait3A_257 : memref<100000x16xf32, #tpu.memory_space<vmem_shared>>)
      %dma_wait3A_258 = arith.constant 6 : i32
      %dma_wait3A_259 = arith.constant 768 : i32
      %dma_wait3A_260 = arith.constant 0 : i32
      %dma_wait3A_261 = tpu.memref_slice %arg6[%dma_wait3A_259, %dma_wait3A_260] : memref<1792x16xf32, #tpu.memory_space<vmem>> -> memref<128x16xf32, #tpu.memory_space<vmem>>
      %dma_wait3A_262 = arith.constant 0 : i32
      %dma_wait3A_263 = tpu.memref_slice %arg7[%dma_wait3A_258, %dma_wait3A_262] : memref<14x128xi32, #tpu.memory_space<vmem>> -> memref<1x128xi32, #tpu.memory_space<vmem>>
      %dma_wait3A_264 = tpu.memref_squeeze %dma_wait3A_263 : memref<1x128xi32, #tpu.memory_space<vmem>> -> memref<128xi32, #tpu.memory_space<vmem>>
      %dma_wait3A_265 = arith.constant 0 : i32
      %dma_wait3A_266 = arith.constant 0 : i32
      %dma_wait3A_267 = tpu.memref_slice %arg8[%dma_wait3A_265, %dma_wait3A_266] : memref<100000x16xf32, #tpu.memory_space<vmem_shared>> -> memref<100000x16xf32, #tpu.memory_space<vmem_shared>>
      tpu.wait_indirect_dma semaphore(%arg9 : memref<!tpu.dma_semaphore, #tpu.memory_space<semaphore_mem>>) src(%dma_wait3A_261 : memref<128x16xf32, #tpu.memory_space<vmem>>) dst(%dma_wait3A_267 : memref<100000x16xf32, #tpu.memory_space<vmem_shared>>)
      %dma_wait3A_268 = arith.constant 7 : i32
      %dma_wait3A_269 = arith.constant 896 : i32
      %dma_wait3A_270 = arith.constant 0 : i32
      %dma_wait3A_271 = tpu.memref_slice %arg6[%dma_wait3A_269, %dma_wait3A_270] : memref<1792x16xf32, #tpu.memory_space<vmem>> -> memref<128x16xf32, #tpu.memory_space<vmem>>
      %dma_wait3A_272 = arith.constant 0 : i32
      %dma_wait3A_273 = tpu.memref_slice %arg7[%dma_wait3A_268, %dma_wait3A_272] : memref<14x128xi32, #tpu.memory_space<vmem>> -> memref<1x128xi32, #tpu.memory_space<vmem>>
      %dma_wait3A_274 = tpu.memref_squeeze %dma_wait3A_273 : memref<1x128xi32, #tpu.memory_space<vmem>> -> memref<128xi32, #tpu.memory_space<vmem>>
      %dma_wait3A_275 = arith.constant 0 : i32
      %dma_wait3A_276 = arith.constant 0 : i32
      %dma_wait3A_277 = tpu.memref_slice %arg8[%dma_wait3A_275, %dma_wait3A_276] : memref<100000x16xf32, #tpu.memory_space<vmem_shared>> -> memref<100000x16xf32, #tpu.memory_space<vmem_shared>>
      tpu.wait_indirect_dma semaphore(%arg9 : memref<!tpu.dma_semaphore, #tpu.memory_space<semaphore_mem>>) src(%dma_wait3A_271 : memref<128x16xf32, #tpu.memory_space<vmem>>) dst(%dma_wait3A_277 : memref<100000x16xf32, #tpu.memory_space<vmem_shared>>)
      %dma_wait3A_278 = arith.constant 8 : i32
      %dma_wait3A_279 = arith.constant 1024 : i32
      %dma_wait3A_280 = arith.constant 0 : i32
      %dma_wait3A_281 = tpu.memref_slice %arg6[%dma_wait3A_279, %dma_wait3A_280] : memref<1792x16xf32, #tpu.memory_space<vmem>> -> memref<128x16xf32, #tpu.memory_space<vmem>>
      %dma_wait3A_282 = arith.constant 0 : i32
      %dma_wait3A_283 = tpu.memref_slice %arg7[%dma_wait3A_278, %dma_wait3A_282] : memref<14x128xi32, #tpu.memory_space<vmem>> -> memref<1x128xi32, #tpu.memory_space<vmem>>
      %dma_wait3A_284 = tpu.memref_squeeze %dma_wait3A_283 : memref<1x128xi32, #tpu.memory_space<vmem>> -> memref<128xi32, #tpu.memory_space<vmem>>
      %dma_wait3A_285 = arith.constant 0 : i32
      %dma_wait3A_286 = arith.constant 0 : i32
      %dma_wait3A_287 = tpu.memref_slice %arg8[%dma_wait3A_285, %dma_wait3A_286] : memref<100000x16xf32, #tpu.memory_space<vmem_shared>> -> memref<100000x16xf32, #tpu.memory_space<vmem_shared>>
      tpu.wait_indirect_dma semaphore(%arg9 : memref<!tpu.dma_semaphore, #tpu.memory_space<semaphore_mem>>) src(%dma_wait3A_281 : memref<128x16xf32, #tpu.memory_space<vmem>>) dst(%dma_wait3A_287 : memref<100000x16xf32, #tpu.memory_space<vmem_shared>>)
      %dma_wait3A_288 = arith.constant 9 : i32
      %dma_wait3A_289 = arith.constant 1152 : i32
      %dma_wait3A_290 = arith.constant 0 : i32
      %dma_wait3A_291 = tpu.memref_slice %arg6[%dma_wait3A_289, %dma_wait3A_290] : memref<1792x16xf32, #tpu.memory_space<vmem>> -> memref<128x16xf32, #tpu.memory_space<vmem>>
      %dma_wait3A_292 = arith.constant 0 : i32
      %dma_wait3A_293 = tpu.memref_slice %arg7[%dma_wait3A_288, %dma_wait3A_292] : memref<14x128xi32, #tpu.memory_space<vmem>> -> memref<1x128xi32, #tpu.memory_space<vmem>>
      %dma_wait3A_294 = tpu.memref_squeeze %dma_wait3A_293 : memref<1x128xi32, #tpu.memory_space<vmem>> -> memref<128xi32, #tpu.memory_space<vmem>>
      %dma_wait3A_295 = arith.constant 0 : i32
      %dma_wait3A_296 = arith.constant 0 : i32
      %dma_wait3A_297 = tpu.memref_slice %arg8[%dma_wait3A_295, %dma_wait3A_296] : memref<100000x16xf32, #tpu.memory_space<vmem_shared>> -> memref<100000x16xf32, #tpu.memory_space<vmem_shared>>
      tpu.wait_indirect_dma semaphore(%arg9 : memref<!tpu.dma_semaphore, #tpu.memory_space<semaphore_mem>>) src(%dma_wait3A_291 : memref<128x16xf32, #tpu.memory_space<vmem>>) dst(%dma_wait3A_297 : memref<100000x16xf32, #tpu.memory_space<vmem_shared>>)
    } else {
    }
    %barrier3A_41 = arith.constant 0 : index
    tpu.barrier barrier_id(%barrier3A_41)
    %eq3A_42 = arith.constant 0 : i32
    %eq3A_43 = arith.cmpi eq, %arg0, %eq3A_42 : i32
    %convert_element_type3A_44 = arith.extui %eq3A_43 : i1 to i32
    %cond3A_45 = arith.constant 0 : i32
    %cond3A_46 = arith.cmpi ne, %convert_element_type3A_44, %cond3A_45 : i32
    scf.if %cond3A_46 {
      %lt3A_52 = arith.constant 15 : i32
      %lt3A_53 = arith.cmpi slt, %arg1, %lt3A_52 : i32
      %convert_element_type3A_54 = arith.extui %lt3A_53 : i1 to i32
      %cond3A_55 = arith.constant 0 : i32
      %cond3A_56 = arith.cmpi ne, %convert_element_type3A_54, %cond3A_55 : i32
      scf.if %cond3A_56 {
        "tpu.region"() ({
          %run_scoped3A = tpu.sem_alloc : memref<!tpu.dma_semaphore, #tpu.memory_space<semaphore_mem>>
          %dma_start3A = arith.constant 0 : i32
          %dma_start3A_62 = tpu.memref_slice %arg4[%mul3A_6, %dma_start3A] : memref<100000x16xf32, #tpu.memory_space<hbm>> -> memref<6256x16xf32, #tpu.memory_space<hbm>>
          %dma_start3A_63 = arith.constant 0 : i32
          %dma_start3A_64 = tpu.memref_slice %arg8[%mul3A_6, %dma_start3A_63] : memref<100000x16xf32, #tpu.memory_space<vmem_shared>> -> memref<6256x16xf32, #tpu.memory_space<vmem_shared>>
          tpu.enqueue_dma source(%dma_start3A_64 : memref<6256x16xf32, #tpu.memory_space<vmem_shared>>) target(%dma_start3A_62 : memref<6256x16xf32, #tpu.memory_space<hbm>>) target_semaphore(%run_scoped3A : memref<!tpu.dma_semaphore, #tpu.memory_space<semaphore_mem>>)
          %dma_wait3A = arith.constant 0 : i32
          %dma_wait3A_65 = tpu.memref_slice %arg4[%mul3A_6, %dma_wait3A] : memref<100000x16xf32, #tpu.memory_space<hbm>> -> memref<6256x16xf32, #tpu.memory_space<hbm>>
          %dma_wait3A_66 = arith.constant 0 : i32
          %dma_wait3A_67 = tpu.memref_slice %arg8[%mul3A_6, %dma_wait3A_66] : memref<100000x16xf32, #tpu.memory_space<vmem_shared>> -> memref<6256x16xf32, #tpu.memory_space<vmem_shared>>
          tpu.wait_dma2 semaphore(%run_scoped3A : memref<!tpu.dma_semaphore, #tpu.memory_space<semaphore_mem>>) src(%dma_wait3A_67 : memref<6256x16xf32, #tpu.memory_space<vmem_shared>>) dst(%dma_wait3A_65 : memref<6256x16xf32, #tpu.memory_space<hbm>>)
          tpu.yield
        }) : () -> ()
      } else {
      }
      %eq3A_57 = arith.constant 15 : i32
      %eq3A_58 = arith.cmpi eq, %arg1, %eq3A_57 : i32
      %convert_element_type3A_59 = arith.extui %eq3A_58 : i1 to i32
      %cond3A_60 = arith.constant 0 : i32
      %cond3A_61 = arith.cmpi ne, %convert_element_type3A_59, %cond3A_60 : i32
      scf.if %cond3A_61 {
        "tpu.region"() ({
          %run_scoped3A = tpu.sem_alloc : memref<!tpu.dma_semaphore, #tpu.memory_space<semaphore_mem>>
          %dma_start3A = arith.constant 0 : i32
          %dma_start3A_62 = tpu.memref_slice %arg4[%mul3A_6, %dma_start3A] : memref<100000x16xf32, #tpu.memory_space<hbm>> -> memref<6160x16xf32, #tpu.memory_space<hbm>>
          %dma_start3A_63 = arith.constant 0 : i32
          %dma_start3A_64 = tpu.memref_slice %arg8[%mul3A_6, %dma_start3A_63] : memref<100000x16xf32, #tpu.memory_space<vmem_shared>> -> memref<6160x16xf32, #tpu.memory_space<vmem_shared>>
          tpu.enqueue_dma source(%dma_start3A_64 : memref<6160x16xf32, #tpu.memory_space<vmem_shared>>) target(%dma_start3A_62 : memref<6160x16xf32, #tpu.memory_space<hbm>>) target_semaphore(%run_scoped3A : memref<!tpu.dma_semaphore, #tpu.memory_space<semaphore_mem>>)
          %dma_wait3A = arith.constant 0 : i32
          %dma_wait3A_65 = tpu.memref_slice %arg4[%mul3A_6, %dma_wait3A] : memref<100000x16xf32, #tpu.memory_space<hbm>> -> memref<6160x16xf32, #tpu.memory_space<hbm>>
          %dma_wait3A_66 = arith.constant 0 : i32
          %dma_wait3A_67 = tpu.memref_slice %arg8[%mul3A_6, %dma_wait3A_66] : memref<100000x16xf32, #tpu.memory_space<vmem_shared>> -> memref<6160x16xf32, #tpu.memory_space<vmem_shared>>
          tpu.wait_dma2 semaphore(%run_scoped3A : memref<!tpu.dma_semaphore, #tpu.memory_space<semaphore_mem>>) src(%dma_wait3A_67 : memref<6160x16xf32, #tpu.memory_space<vmem_shared>>) dst(%dma_wait3A_65 : memref<6160x16xf32, #tpu.memory_space<hbm>>)
          tpu.yield
        }) : () -> ()
      } else {
      }
    } else {
    }
    %eq3A_47 = arith.constant 1 : i32
    %eq3A_48 = arith.cmpi eq, %arg0, %eq3A_47 : i32
    %convert_element_type3A_49 = arith.extui %eq3A_48 : i1 to i32
    %cond3A_50 = arith.constant 0 : i32
    %cond3A_51 = arith.cmpi ne, %convert_element_type3A_49, %cond3A_50 : i32
    scf.if %cond3A_51 {
      %lt3A_52 = arith.constant 15 : i32
      %lt3A_53 = arith.cmpi slt, %arg1, %lt3A_52 : i32
      %convert_element_type3A_54 = arith.extui %lt3A_53 : i1 to i32
      %cond3A_55 = arith.constant 0 : i32
      %cond3A_56 = arith.cmpi ne, %convert_element_type3A_54, %cond3A_55 : i32
      scf.if %cond3A_56 {
        "tpu.region"() ({
          %run_scoped3A = tpu.sem_alloc : memref<!tpu.dma_semaphore, #tpu.memory_space<semaphore_mem>>
          %dma_start3A = arith.constant 0 : i32
          %dma_start3A_62 = tpu.memref_slice %arg5[%mul3A_6, %dma_start3A] : memref<100000x16xf32, #tpu.memory_space<hbm>> -> memref<6256x16xf32, #tpu.memory_space<hbm>>
          %dma_start3A_63 = arith.constant 0 : i32
          %dma_start3A_64 = tpu.memref_slice %arg8[%mul3A_6, %dma_start3A_63] : memref<100000x16xf32, #tpu.memory_space<vmem_shared>> -> memref<6256x16xf32, #tpu.memory_space<vmem_shared>>
          tpu.enqueue_dma source(%dma_start3A_64 : memref<6256x16xf32, #tpu.memory_space<vmem_shared>>) target(%dma_start3A_62 : memref<6256x16xf32, #tpu.memory_space<hbm>>) target_semaphore(%run_scoped3A : memref<!tpu.dma_semaphore, #tpu.memory_space<semaphore_mem>>)
          %dma_wait3A = arith.constant 0 : i32
          %dma_wait3A_65 = tpu.memref_slice %arg5[%mul3A_6, %dma_wait3A] : memref<100000x16xf32, #tpu.memory_space<hbm>> -> memref<6256x16xf32, #tpu.memory_space<hbm>>
          %dma_wait3A_66 = arith.constant 0 : i32
          %dma_wait3A_67 = tpu.memref_slice %arg8[%mul3A_6, %dma_wait3A_66] : memref<100000x16xf32, #tpu.memory_space<vmem_shared>> -> memref<6256x16xf32, #tpu.memory_space<vmem_shared>>
          tpu.wait_dma2 semaphore(%run_scoped3A : memref<!tpu.dma_semaphore, #tpu.memory_space<semaphore_mem>>) src(%dma_wait3A_67 : memref<6256x16xf32, #tpu.memory_space<vmem_shared>>) dst(%dma_wait3A_65 : memref<6256x16xf32, #tpu.memory_space<hbm>>)
          tpu.yield
        }) : () -> ()
      } else {
      }
      %eq3A_57 = arith.constant 15 : i32
      %eq3A_58 = arith.cmpi eq, %arg1, %eq3A_57 : i32
      %convert_element_type3A_59 = arith.extui %eq3A_58 : i1 to i32
      %cond3A_60 = arith.constant 0 : i32
      %cond3A_61 = arith.cmpi ne, %convert_element_type3A_59, %cond3A_60 : i32
      scf.if %cond3A_61 {
        "tpu.region"() ({
          %run_scoped3A = tpu.sem_alloc : memref<!tpu.dma_semaphore, #tpu.memory_space<semaphore_mem>>
          %dma_start3A = arith.constant 0 : i32
          %dma_start3A_62 = tpu.memref_slice %arg5[%mul3A_6, %dma_start3A] : memref<100000x16xf32, #tpu.memory_space<hbm>> -> memref<6160x16xf32, #tpu.memory_space<hbm>>
          %dma_start3A_63 = arith.constant 0 : i32
          %dma_start3A_64 = tpu.memref_slice %arg8[%mul3A_6, %dma_start3A_63] : memref<100000x16xf32, #tpu.memory_space<vmem_shared>> -> memref<6160x16xf32, #tpu.memory_space<vmem_shared>>
          tpu.enqueue_dma source(%dma_start3A_64 : memref<6160x16xf32, #tpu.memory_space<vmem_shared>>) target(%dma_start3A_62 : memref<6160x16xf32, #tpu.memory_space<hbm>>) target_semaphore(%run_scoped3A : memref<!tpu.dma_semaphore, #tpu.memory_space<semaphore_mem>>)
          %dma_wait3A = arith.constant 0 : i32
          %dma_wait3A_65 = tpu.memref_slice %arg5[%mul3A_6, %dma_wait3A] : memref<100000x16xf32, #tpu.memory_space<hbm>> -> memref<6160x16xf32, #tpu.memory_space<hbm>>
          %dma_wait3A_66 = arith.constant 0 : i32
          %dma_wait3A_67 = tpu.memref_slice %arg8[%mul3A_6, %dma_wait3A_66] : memref<100000x16xf32, #tpu.memory_space<vmem_shared>> -> memref<6160x16xf32, #tpu.memory_space<vmem_shared>>
          tpu.wait_dma2 semaphore(%run_scoped3A : memref<!tpu.dma_semaphore, #tpu.memory_space<semaphore_mem>>) src(%dma_wait3A_67 : memref<6160x16xf32, #tpu.memory_space<vmem_shared>>) dst(%dma_wait3A_65 : memref<6160x16xf32, #tpu.memory_space<hbm>>)
          tpu.yield
        }) : () -> ()
      } else {
      }
    } else {
    }
    return
  }
}

</mosaic_0001>

<sc_bundles>
// kernel: _segment_sums.3.cloned.1.call-start
scs
__scs_entry_jumppad:
0x0: {  	(pc) =	sbr.rel $0x88, $3  }
0x1: {  	(tag) =	ssettag $0x0;
	lr =	simm.s32 $0x1  }
0x2: {  	[smem:$0x3F9F] =	sst lr;
	_ =	strace $0xD0000000  }
0x3: {  	_ = 	snop  }
0x4: {  	_ = 	snop  }
0x5: {  	_ = 	snop  }
0x6: {  	_ = 	snop  }
0x7: {  	_ = 	snop  }
__scs_overlays_trampoline_lowered:
0x8: {  	[smem:$0x3FAE] =	sst s0  }
0x9: {  	[smem:$0x3FAF] =	sst s1  }
0xa: {  	[smem:$0x3FB0] =	sst s2  }
0xb: {  	[smem:$0x3FB1] =	sst s3  }
0xc: {  	[smem:$0x3FB2] =	sst s4  }
0xd: {  	[smem:$0x3FB3] =	sst s5  }
0xe: {  	[smem:$0x3FB4] =	sst s6  }
0xf: {  	[smem:$0x3FB5] =	sst s7  }
0x10: {  	[smem:$0x3FB6] =	sst s8  }
0x11: {  	[smem:$0x3FB7] =	sst s9;
	s0 =	simm.s32 @!p0 $0x0  }
0x12: {  	s1 =	sld [smem:$0x3F9D];
	s0 =	simm.s32 @p0 $0x1  }
0x13: {  	[smem:$0x3FB8] =	sst s0;
	s0 =	simm.s32 @!p1 $0x0  }
0x14: {  	s2 =	sld [smem:$0x3F9C];
	s0 =	simm.s32 @p1 $0x1  }
0x15: {  	[smem:$0x3FB9] =	sst s0;
	s0 =	simm.s32 @!p2 $0x0  }
0x16: {  	s3 =	sld [smem:$0x3FDB];
	s0 =	simm.s32 @p2 $0x1  }
0x17: {  	s4 =	simm.s32 $0x1BF5;
	[smem:$0x3FBB] =	sst s0  }
0x18: {  	s0 =	sld [smem:$0x3F9E];
	_ =	swait.ge [sflag:s4], $0x0  }
0x19: {  	s7 =	sld [smem:$0x3F9F]  }
0x1a: {  	s8 =	sadd.s32 $0xFFFFE003, lr  }
0x1b: {  	s9 =	sadd.s32 $0xFFFFFEF7, lr;
	s5 =	simm.s32 $0xFFFFFFFF;
	p2 =	slt.u32 s8, $0xFFFFF086  }
0x1c: {  	p1 =	slt.u32 s9, $0xF7A;
	s5 =	simm.s32 @!p2 $0x0  }
0x1d: {  	s5 =	simm.s32 @p1 $0x1;
	p0 =	seq.s32 s7, s2  }
0x1e: {  	s7 =	smul.u32 @!p0 $0xF7A, s2;
	p2 =	seq.s32 @!p0 s5, $0x0  }
0x1f: {  	s9 =	smul.u32 $0xF7A, s1;
	s8 =	simm.s32 @!p0 $0x1BF5;
	p2 =	por !p2, p0  }
0x20: {  	[sflag:s8] =	ssyncset.s32 @!p0 $0xFFFFF086;
	s6 =	sadd.s32 @!p0 s3, s7;
	s7 =	simm.s32 @!p0 $0x108  }
0x21: {  	s3 =	sadd.s32 s3, s9;
	s6 =	sadd.s32 @!p0 $0x88, s6;
	s7 =	simm.s32 @p2 $0x1082  }
0x22: {  	[simem:s7], [sflag:s8] =	dma.local @!p0 [hbm:s6], $0xF7A  }
0x23: {  	s9 =	sor.u32 $0xD0000000, s2;
	s6 =	simm.s32 $0x108;
	_ =	swait.ge @!p0 [sflag:s8], $0x0  }
0x24: {  	s3 =	sadd.s32 $0x88, s3;
	s6 =	simm.s32 @!p1 $0x1082;
	[sflag:s4] =	ssyncset.s32 $0xFFFFF086  }
0x25: {  	[simem:s6], [sflag:s4] =	dma.local [hbm:s3], $0xF7A  }
0x26: {  	[smem:$0x3F9F] =	sst s1;
	(tag) =	ssettag s2;
	_ =	strace s9  }
0x27: {  	s1 =	sld [smem:$0x3FAF]  }
0x28: {  	s2 =	sld [smem:$0x3FB0]  }
0x29: {  	s4 =	sld [smem:$0x3FB2]  }
0x2a: {  	p0 =	seq.s32 s5, $0x0;
	s5 =	sld [smem:$0x3FB3]  }
0x2b: {  	s6 =	sld [smem:$0x3FB4]  }
0x2c: {  	s7 =	sld [smem:$0x3FB5]  }
0x2d: {  	s3 =	simm.s32 $0x108;
	s8 =	sld [smem:$0x3FB6]  }
0x2e: {  	s3 =	simm.s32 @!p0 $0x1082;
	s9 =	sld [smem:$0x3FB7]  }
0x2f: {  	lr =	sadd.s32 s0, s3;
	s0 =	sld [smem:$0x3FAE]  }
0x30: {  	s3 =	sld [smem:$0x3FB1]  }
0x31: {  	[smem:$0x3FBA] =	sst s10  }
0x32: {  	s10 =	sld [smem:$0x3FB8];
	_ =	sdelay $0x3  }
0x33: {  	p0 =	seq.s32 s10, $0x1;
	s10 =	sld [smem:$0x3FBA];
	_ =	sdelay $0x3  }
0x34: {  	[smem:$0x3FBA] =	sst s10  }
0x35: {  	s10 =	sld [smem:$0x3FB9];
	_ =	sdelay $0x3  }
0x36: {  	p1 =	seq.s32 s10, $0x1;
	s10 =	sld [smem:$0x3FBA];
	_ =	sdelay $0x3  }
0x37: {  	[smem:$0x3FBA] =	sst s10  }
0x38: {  	s10 =	sld [smem:$0x3FBB]  }
0x39: {  	_ = 	snop;
	(pc) =	sbr.ind lr, $3  }
0x3a: {  	_ = 	snop  }
0x3b: {  	_ = 	snop  }
0x3c: {  	p2 =	seq.s32 s10, $0x1;
	s10 =	sld [smem:$0x3FBA]  }
0x3d: {  	_ =	shalt  }
0x3e: {  	_ =	shalt  }
0x3f: {  	_ =	shalt  }
0x40: {  	_ =	shalt  }
0x41: {  	_ =	shalt  }
0x42: {  	_ =	shalt  }
0x43: {  	_ =	shalt  }
0x44: {  	_ =	shalt  }
0x45: {  	_ =	shalt  }
0x46: {  	_ =	shalt  }
0x47: {  	_ =	shalt  }
0x48: {  	_ =	shalt  }
0x49: {  	_ =	shalt  }
0x4a: {  	_ =	shalt  }
0x4b: {  	_ =	shalt  }
0x4c: {  	_ =	shalt  }
0x4d: {  	_ =	shalt  }
0x4e: {  	_ =	shalt  }
0x4f: {  	_ =	shalt  }
0x50: {  	_ =	shalt  }
0x51: {  	_ =	shalt  }
0x52: {  	_ =	shalt  }
0x53: {  	_ =	shalt  }
0x54: {  	_ =	shalt  }
0x55: {  	_ =	shalt  }
0x56: {  	_ =	shalt  }
0x57: {  	_ =	shalt  }
0x58: {  	_ =	shalt  }
0x59: {  	_ =	shalt  }
0x5a: {  	_ =	shalt  }
0x5b: {  	_ =	shalt  }
0x5c: {  	_ =	shalt  }
0x5d: {  	_ =	shalt  }
0x5e: {  	_ =	shalt  }
0x5f: {  	_ =	shalt  }
0x60: {  	_ =	shalt  }
0x61: {  	_ =	shalt  }
0x62: {  	_ =	shalt  }
0x63: {  	_ =	shalt  }
0x64: {  	_ =	shalt  }
0x65: {  	_ =	shalt  }
0x66: {  	_ =	shalt  }
0x67: {  	_ =	shalt  }
0x68: {  	_ =	shalt  }
0x69: {  	_ =	shalt  }
0x6a: {  	_ =	shalt  }
0x6b: {  	_ =	shalt  }
0x6c: {  	_ =	shalt  }
0x6d: {  	_ =	shalt  }
0x6e: {  	_ =	shalt  }
0x6f: {  	_ =	shalt  }
0x70: {  	_ =	shalt  }
0x71: {  	_ =	shalt  }
0x72: {  	_ =	shalt  }
0x73: {  	_ =	shalt  }
0x74: {  	_ =	shalt  }
0x75: {  	_ =	shalt  }
0x76: {  	_ =	shalt  }
0x77: {  	_ =	shalt  }
0x78: {  	_ =	shalt  }
0x79: {  	_ =	shalt  }
0x7a: {  	_ =	shalt  }
0x7b: {  	_ =	shalt  }
0x7c: {  	_ =	shalt  }
0x7d: {  	_ =	shalt  }
0x7e: {  	_ =	shalt  }
0x7f: {  	_ =	shalt  }
0x80: {  	_ =	shalt  }
0x81: {  	_ =	shalt  }
0x82: {  	_ =	shalt  }
0x83: {  	_ =	shalt  }
0x84: {  	_ =	shalt  }
0x85: {  	_ =	shalt  }
0x86: {  	_ =	shalt  }
0x87: {  	_ =	shalt  }
.Lfunc_end0:
.L_simem_size_0:
called_computation_lowered:
.L_overlay_start_0:
0x88: {  	s2 =	sld [smem:$0x3FD9]  }
0x89: {  	s3 =	sld [smem:$0x3FFE];
	_ =	sdelay $0x1  }
0x8a: {  	s1 =	srdreg.scid  }
0x8b: {  	s0 =	sand.u32 $0x1, s1  }
0x8c: {  	s14 =	sshll.u32 s0, $0xA;
	s2 =	sadd.s32 s3, s2  }
0x8d: {  	s2 =	sadd.s32 s2, s14  }
0x8e: {  	[smem:$0x3FC6] =	sst s2  }
0x8f: {  	_ = 	snop  }
0x90: {  	s2 =	sld [smem:$0x3FD0];
	_ =	sdelay $0x2  }
0x91: {  	s4 =	simm.s32 $0xA;
	s5 =	simm.s32 $0x10;
	s15 =	sld [smem:$0x3FC8]  }
0x92: {  	[smem:s5], [sflag:s4] =	dma.local [hbm:s2], $0x1  }
0x93: {  	_ =	swait.eq [sflag:s4], $0x1  }
0x94: {  	[sflag:s4] =	ssyncset.done $0x0  }
0x95: {  	s16 =	sld [smem:$0x10];
	[sflag:s4] =	ssyncadd.s32 $0xFFFFFFFF  }
0x96: {  	s17 =	sld [smem:$0x11];
	(tm) =	ssettm $0x1  }
0x97: {  	s18 =	sld [smem:$0x3FFB];
	_ =	sdelay $0x3  }
0x98: {  	_ =	strace s18  }
0x99: {  	s5 =	sld [smem:$0x3FFC];
	_ =	sdelay $0x3  }
0x9a: {  	_ =	strace s5  }
0x9b: {  	s5 =	sld [smem:$0x3FFD];
	_ =	sdelay $0x3  }
0x9c: {  	_ =	strace s5  }
0x9d: {  	_ =	strace $0x8FFFFFFF  }
0x9e: {  	s19 =	sld [smem:$0x3FDB];
	_ =	sdelay $0x1  }
0x9f: {  	s6 =	simm.s32 $_scs_section_size  }
0xa0: {  	s7 =	simm.s32 $_size__tile_overlayer_lowered;
	s8 =	simm.s32 $_tile_overlayer_lowered  }
0xa1: {  	s22 =	simm.s32 $0x1BFF;
	s21 =	sshll.u32 s8, $0x1;
	s5 =	sadd.s32 s6, s19  }
0xa2: {  	s9 =	simm.s32 $0x0;
	s20 =	sshll.u32 s7, $0x1;
	s7 =	sadd.s32 s21, s5  }
0xa3: {  	[timem:s9], [sflag:s22] =	dma.local [hbm:s7], s20  }
0xa4: {  	_ =	swait.ge [sflag:s22], s20  }
0xa5: {  	s6 =	ssub.s32 $0x0, s20;
	[sflag:s22] =	ssyncset.done $0x0  }
0xa6: {  	[sflag:s22] =	ssyncadd.s32 s6;
	_ =	sdelay $0x1  }
0xa7: {  	s23 =	simm.s32 $0x1B8B  }
0xa8: {  	_ =	swait.ge [sflag:s23], $0x1  }
0xa9: {  	[sflag:s23] =	ssyncset.done $0x0  }
0xaa: {  	s25 =	simm.s32 $0x1B8E;
	s24 =	sld [smem:$0x3FFE];
	[sflag:s23] =	ssyncadd.s32 $0xFFFFFFFF  }
0xab: {  	s26 =	simm.s32 $execute0_lowered;
	[smem:$0x3FD2] =	sst s25  }
0xac: {  	s7 =	sshll.u32 s26, $0x1;
	_ =	strace $0x80000046;
	[dreg:$0x1] =	wrdreg $0xFFFFFFFF  }
0xad: {  	s28 =	simm.s32 $_size_execute0_lowered;
	s5 =	sadd.s32 s5, s7;
	[dreg:$0x0] =	wrdreg $0x0  }
0xae: {  	s7 =	sshll.u32 s28, $0x1;
	[dreg:$0x2] =	wrdreg s5  }
0xaf: {  	[dreg:$0x3] =	wrdreg s7  }
0xb0: {  	[dreg:$0x4] =	wrdreg $0xC0  }
0xb1: {  	_ =	task [dreg:s9], $0x5FFFF  }
0xb2: {  	[dreg:$0x1] =	wrdreg $0xFFFFFFFF  }
0xb3: {  	[dreg:$0x0] =	wrdreg $0x60  }
0xb4: {  	[dreg:$0x2] =	wrdreg s24  }
0xb5: {  	[dreg:$0x3] =	wrdreg s15  }
0xb6: {  	[dreg:$0x4] =	wrdreg s16  }
0xb7: {  	[dreg:$0x5] =	wrdreg s17  }
0xb8: {  	[dreg:$0x6] =	wrdreg $0x77000  }
0xb9: {  	[dreg:$0x7] =	wrdreg $0x9  }
0xba: {  	_ =	task.clear_ibuf [dreg:s9], $0x8FFFF;
	_ =	strace $0x90000046  }
0xbb: {  	s29 =	simm.s32 $0x9;
	_ =	strace $0x80000048  }
0xbc: {  	_ =	swait.ge [sflag:s29], $0x1  }
0xbd: {  	[sflag:s29] =	ssyncadd.s32 $0xFFFFFFFF  }
0xbe: {  	_ =	strace $0x90000048  }
0xbf: {  	_ =	sfence  }
0xc0: {  	s30 =	sld [smem:$0x0];
	_ =	sdelay $0x2  }
0xc1: {  	s31 =	sshll.u32 s1, $0xD;
	s1 =	sshrl.u32 s1, $0x2  }
0xc2: {  	s3 =	sand.u32 $0x4000, s31;
	s1 =	sadd.s32 s1, s30  }
0xc3: {  	s0 =	sor.u32 s3, s0;
	s1 =	sshll.u32 s1, $0x11  }
0xc4: {  	s0 =	sor.u32 s1, s0  }
0xc5: {  	s0 =	sadd.s32 $0x8F2B, s0  }
0xc6: {  	[sflag:s0] =	ssyncadd.remote.s32 $0x1  }
0xc7: {  	_ =	sfence.sel $0xFFFF  }
0xc8: {  	[dreg:$0x0] =	wrdreg $0xFFFFFFFF;
	(pc) =	sbr.abs _section_cstart, $3  }
0xc9: {  	[dreg:$0x1] =	wrdreg $0xFFFFFFFF  }
0xca: {  	_ =	task.clear_ibuf [dreg:s9], $0x2FFFF;
	_ =	strace $0x9FFFFFFF  }
0xcb: {  	(tm) =	ssettm $0x7FFFFFFF  }
tec
execute0_lowered:
.L_overlay_start_1:
0x0: {  	(tag) =	ssettag $0x1  }
0x1: {  	s0 =	rddreg [dreg:$0x0]  }
0x2: {  	s1 =	rddreg [dreg:$0x1]  }
0x3: {  	s5 =	rddreg [dreg:$0x2]  }
0x4: {  	s6 =	rddreg [dreg:$0x3]  }
0x5: {  	s2 =	rddreg [dreg:$0x4]  }
0x6: {  	s13 =	stileid.u32;
	s3 =	simm.s32 $0x0;
	s7 =	srdreg.scid  }
0x7: {  	s28 =	simm.s32 $0x1800;
	s29 =	simm.s32 $0x7200;
	s4 =	smul.u32 $0x62000, s13  }
0x8: {  	s30 =	simm.s32 $0x2000;
	s31 =	simm.s32 $0x7280;
	s8 =	smul.u32 $0x61C00, s13  }
0x9: {  	[smem:$0x7FF] =	sst s3;
	s7 =	sand.u32 $0x1, s7;
	s10 =	smul.u32 $0x18700, s13  }
0xa: {  	s22 =	sadd.s32 $0x183900, s2;
	s23 =	smul.u32 $0x31000, s13;
	s16 =	sadd.s32 $0x2DD20, s5  }
0xb: {  	p1 =	seq.s32 s13, $0xF;
	p2 =	sne.s32 s13, $0xF;
	s13 =	simm.s32 $0x7400  }
0xc: {  	_ =	strace $0x80000047;
	s9 =	ssub.s32 $0x2, s7;
	[dreg:$0x10] =	wrdreg s22  }
0xd: {  	s12 =	smul.u32 $0x30D400, s7;
	p0 =	seq.s32 s7, $0x1;
	[dreg:$0x15] =	wrdreg s16  }
0xe: {  	s22 =	simm.s32 $0x5000;
	s11 =	sadd.s32 s4, s0;
	s18 =	sshrl.u32 s9, $0x1  }
0xf: {  	s8 =	sshrl.u32 s8, $0x2;
	s17 =	sadd.s32 s10, s2;
	s24 =	sshrl.u32 s10, $0x3  }
0x10: {  	s0 =	sadd.s32 $0x36EE800, s0;
	[dreg:$0x7] =	wrdreg s22;
	s22 =	simm.s32 $0x7080  }
0x11: {  	s9 =	ssub.s32 s9, s18;
	s8 =	sadd.s32 s8, s2;
	s25 =	sshrl.u32 s12, $0x3  }
0x12: {  	s26 =	sadd.s32 s5, s24;
	s7 =	sadd.s32 s6, s24;
	[dreg:$0x13] =	wrdreg s0  }
0x13: {  	s15 =	sadd.s32 s23, s12;
	s18 =	sadd.s32 $0x2DD20, s6;
	[dreg:$0xc] =	wrdreg s17  }
0x14: {  	s23 =	simm.s32 $0x7580;
	s24 =	simm.s32 $0x5800;
	[dreg:$0x11] =	wrdreg s26  }
0x15: {  	s12 =	simm.s32 $0x3800;
	s5 =	simm.s32 $0x4800;
	[dreg:$0x12] =	wrdreg s7  }
0x16: {  	s6 =	simm.s32 $0x7680;
	s19 =	sadd.s32 $0x7000, s8;
	[dreg:$0x16] =	wrdreg s18  }
0x17: {  	s20 =	sadd.s32 $0xE000, s8;
	s21 =	sadd.s32 $0x15000, s8;
	[dreg:$0x8] =	wrdreg s23  }
0x18: {  	s10 =	sadd.s32 s1, s25;
	s0 =	sshrl.u32 s15, $0x3;
	[dreg:$0x9] =	wrdreg s24  }
0x19: {  	s25 =	simm.s32 $0x7600;
	s23 =	simm.s32 $0x800;
	[dreg:$0xd] =	wrdreg s19  }
0x1a: {  	s26 =	simm.s32 $0x6000;
	s24 =	simm.s32 $0x7100;
	[dreg:$0xe] =	wrdreg s20  }
0x1b: {  	s7 =	simm.s32 $0x6800;
	s8 =	simm.s32 $0x0;
	[dreg:$0xf] =	wrdreg s21  }
0x1c: {  	s14 =	sadd.s32 $0x619E0, s10;
	s19 =	smax.u32 s9, $0x1;
	[dreg:$0xa] =	wrdreg s25  }
0x1d: {  	s0 =	sadd.s32 s0, s1;
	s20 =	sadd.s32 $0x30D4A00, s11;
	[dreg:$0xb] =	wrdreg s26  }
0x1e: {  	s21 =	simm.s32 $0x7500;
	s25 =	simm.s32 $0x1000;
	[dreg:$0x14] =	wrdreg s14  }
.Ltmp0:
0x1f: {  	s26 =	simm.s32 $0x7180;
	[dreg:$0x17] =	wrdreg s19;
	(pc) =	sbr.rel .LBB2_1-.Ltmp0, $4  }
0x20: {  	s9 =	simm.s32 $0x7300;
	s10 =	simm.s32 $0x3000;
	[dreg:$0x18] =	wrdreg s0  }
0x21: {  	s11 =	simm.s32 $0x7380;
	s1 =	simm.s32 $0x7480;
	[dreg:$0x19] =	wrdreg s20  }
0x22: {  	s19 =	simm.s32 $0x7000;
	[dreg:$0x6] =	wrdreg s21;
	s20 =	simm.s32 $0x1  }
0x23: {  	v0 =	vimm.f32 $0.0e+00;
	s21 =	simm.s32 $0x80;
	s0 =	simm.s32 $0x2800;
	s14 =	simm.s32 $0x4000  }
.LBB2_7:
0x24: {  	s8 =	stileid.u32  }
0x25: {  	[bflag:$0x0] =	sbarrier.arrive $0xFFFF;
	s4 =	sshll.u32 @p0 s8, $0x6  }
0x26: {  	s18 =	rddreg [dreg:$0x12];
	s4 =	sor.u32 @p0 $0x1C02, s4  }
0x27: {  	[hbm:s18], [sflag:s4] =	dma.local @p0 [spmem:s16], $0x30E0  }
0x28: {  	s4 =	simm.s32 @p0 $0x2  }
0x29: {  	_ =	swait.ge @p0 [sflag:s4], $0x30E0  }
0x2a: {  	s8 =	sshll.u32 @!p0 s8, $0x6;
	[sflag:s4] =	ssyncset.done @p0 $0x0  }
0x2b: {  	[sflag:s4] =	ssyncadd.s32 @p0 $0xFFFFCF20;
	s4 =	sor.u32 @!p0 $0x1C02, s8;
	s8 =	rddreg [dreg:$0x11]  }
0x2c: {  	[hbm:s8], [sflag:s4] =	dma.local @!p0 [spmem:s15], $0x30E0  }
0x2d: {  	s4 =	simm.s32 @!p0 $0x2  }
0x2e: {  	_ =	swait.ge @!p0 [sflag:s4], $0x30E0  }
0x2f: {  	[sflag:s4] =	ssyncset.done @!p0 $0x0  }
0x30: {  	s8 =	rddreg [dreg:$0x1a];
	[sflag:s4] =	ssyncadd.s32 @!p0 $0xFFFFCF20  }
.LBB2_8:
0x31: {  	s8 =	sadd.s32 $0x1, s8;
	s4 =	rddreg [dreg:$0x17]  }
0x32: {  	p3 =	sne.s32 s8, s4  }
.Ltmp1:
0x33: {  	_ = 	snop;
	(pc) =	sbr.rel @!p3 .LBB2_9-.Ltmp1, $1  }
0x34: {  	_ =	sdelay $0x3  }
.LBB2_1:
0x35: {  	[dreg:$0x1a] =	wrdreg s8;
	s15 =	simm.s32 $0x40;
	s16 =	simm.s32 $0x0  }
.LBB2_2:
0x36: {  	p3 =	sne.s32 s15, $0x1BFC0;
	[tilespmem:s16+$0x0] =	vst v0;
	s16 =	smov.u32 s15;
	s15 =	sadd.s32 $0x40, s15  }
.Ltmp2:
0x37: {  	(pc) =	sbr.rel @p3 .LBB2_2-.Ltmp2, $2  }
0x38: {  	_ =	sdelay $0x2  }
0x39: {  	s16 =	sshra.s32 s16, $0x2  }
0x3a: {  	[tilespmem:s16+$0x0] =	vst v0;
	s8 =	simm.s32 $0x2  }
0x3b: {  	[spmem:s17] =	stream.linear.scatter [tilespmem:s3], [sflag:$0x2], $0x7000, $0x38;
	[tilespmem:$0x1FDA0] =	vst v63  }
0x3c: {  	_ =	swait.ge [sflag:s8], $0x7000  }
0x3d: {  	[sflag:s8] =	ssyncset.done $0x0  }
0x3e: {  	s4 =	rddreg [dreg:$0xd];
	[sflag:s8] =	ssyncadd.s32 $0xFFFF9000  }
0x3f: {  	[spmem:s4] =	stream.linear.scatter [tilespmem:s3], [sflag:$0x2], $0x7000, $0x38;
	[tilespmem:$0x1FDA0] =	vst v63  }
0x40: {  	_ =	swait.ge [sflag:s8], $0x7000  }
0x41: {  	[sflag:s8] =	ssyncset.done $0x0  }
0x42: {  	s18 =	rddreg [dreg:$0xe];
	[sflag:s8] =	ssyncadd.s32 $0xFFFF9000  }
0x43: {  	[spmem:s18] =	stream.linear.scatter [tilespmem:s3], [sflag:$0x2], $0x7000, $0x38;
	[tilespmem:$0x1FDA0] =	vst v63  }
0x44: {  	_ =	swait.ge [sflag:s8], $0x7000  }
0x45: {  	[sflag:s8] =	ssyncset.done $0x0  }
0x46: {  	s15 =	simm.s32 @p1 $0x0;
	s4 =	rddreg [dreg:$0x10];
	[sflag:s8] =	ssyncadd.s32 $0xFFFF9000  }
0x47: {  	[spmem:s4] =	stream.linear.scatter @p1 [tilespmem:s15], [sflag:$0x2], $0x3100, $0x38;
	[tilespmem:$0x1FDA0] =	vst v63  }
0x48: {  	s15 =	simm.s32 @p1 $0x2  }
0x49: {  	_ =	swait.ge @p1 [sflag:s15], $0x3100  }
0x4a: {  	[sflag:s15] =	ssyncset.done @p1 $0x0  }
0x4b: {  	s4 =	rddreg [dreg:$0xf];
	[sflag:s15] =	ssyncadd.s32 @p1 $0xFFFFCF00;
	s15 =	simm.s32 @!p1 $0x0  }
0x4c: {  	[spmem:s4] =	stream.linear.scatter @!p1 [tilespmem:s15], [sflag:$0x2], $0x3700, $0x38;
	[tilespmem:$0x1FDA0] =	vst v63  }
0x4d: {  	s15 =	simm.s32 @!p1 $0x2  }
0x4e: {  	_ =	swait.ge @!p1 [sflag:s15], $0x3700  }
0x4f: {  	[sflag:s15] =	ssyncset.done @!p1 $0x0  }
0x50: {  	[sflag:s15] =	ssyncadd.s32 @!p1 $0xFFFFC900  }
0x51: {  	[bflag:$0x0] =	sbarrier.arrive $0xFFFF  }
0x52: {  	s18 =	rddreg [dreg:$0x19]  }
0x53: {  	[tilespmem:s3], [sflag:$0x1] =	stream.linear.gather [hbm4b:s18+s3], $0x7000, $0x38;
	[tilespmem:$0x1FDA0] =	vst v63  }
0x54: {  	s8 =	rddreg [dreg:$0x18]  }
0x55: {  	[tilespmem:s19], [sflag:$0x1] =	stream.linear.gather [hbm4b:s8+s3], $0x700, $0x38;
	[tilespmem:$0x1FDA0] =	vst v63  }
0x56: {  	_ =	swait.ge [sflag:s20], $0x7000  }
0x57: {  	[sflag:s20] =	ssyncset.done $0x0  }
0x58: {  	[sflag:s20] =	ssyncadd.s32 $0xFFFF9000  }
0x59: {  	_ =	swait.ge [sflag:s20], $0x700  }
0x5a: {  	[sflag:s20] =	ssyncset.done $0x0  }
0x5b: {  	[sflag:s20] =	ssyncadd.s32 $0xFFFFF900  }
0x5c: {  	[spmem:s2] =	stream.indirect.scatter.add.f32 [tilespmem:s3], [sflag:$0x1], $0x10, s19, s21, $0xb8;
	[tilespmem:$0x1FDA0] =	vst v63  }
0x5d: {  	_ = 	snop  }
0x5e: {  	[spmem:s2] =	stream.indirect.scatter.add.f32 [tilespmem:s23], [sflag:$0x1], $0x10, s22, s21, $0xb8;
	[tilespmem:$0x1FDA0] =	vst v63  }
0x5f: {  	_ = 	snop  }
0x60: {  	[spmem:s2] =	stream.indirect.scatter.add.f32 [tilespmem:s25], [sflag:$0x1], $0x10, s24, s21, $0xb8;
	[tilespmem:$0x1FDA0] =	vst v63  }
0x61: {  	_ = 	snop  }
0x62: {  	[spmem:s2] =	stream.indirect.scatter.add.f32 [tilespmem:s28], [sflag:$0x1], $0x10, s26, s21, $0xb8;
	[tilespmem:$0x1FDA0] =	vst v63  }
0x63: {  	_ = 	snop  }
0x64: {  	[spmem:s2] =	stream.indirect.scatter.add.f32 [tilespmem:s30], [sflag:$0x1], $0x10, s29, s21, $0xb8;
	[tilespmem:$0x1FDA0] =	vst v63  }
0x65: {  	_ = 	snop  }
0x66: {  	[spmem:s2] =	stream.indirect.scatter.add.f32 [tilespmem:s0], [sflag:$0x1], $0x10, s31, s21, $0xb8;
	[tilespmem:$0x1FDA0] =	vst v63  }
0x67: {  	_ = 	snop  }
0x68: {  	[spmem:s2] =	stream.indirect.scatter.add.f32 [tilespmem:s10], [sflag:$0x1], $0x10, s9, s21, $0xb8;
	[tilespmem:$0x1FDA0] =	vst v63  }
0x69: {  	s15 =	rddreg [dreg:$0x9]  }
0x6a: {  	[spmem:s2] =	stream.indirect.scatter.add.f32 [tilespmem:s12], [sflag:$0x1], $0x10, s11, s21, $0xb8;
	[tilespmem:$0x1FDA0] =	vst v63  }
0x6b: {  	s16 =	rddreg [dreg:$0x7]  }
0x6c: {  	[spmem:s2] =	stream.indirect.scatter.add.f32 [tilespmem:s14], [sflag:$0x1], $0x10, s13, s21, $0xb8;
	[tilespmem:$0x1FDA0] =	vst v63  }
0x6d: {  	s17 =	rddreg [dreg:$0x6]  }
0x6e: {  	[spmem:s2] =	stream.indirect.scatter.add.f32 [tilespmem:s5], [sflag:$0x1], $0x10, s1, s21, $0xb8;
	[tilespmem:$0x1FDA0] =	vst v63  }
0x6f: {  	s4 =	rddreg [dreg:$0x8]  }
0x70: {  	[spmem:s2] =	stream.indirect.scatter.add.f32 [tilespmem:s16], [sflag:$0x1], $0x10, s17, s21, $0xb8;
	[tilespmem:$0x1FDA0] =	vst v63  }
0x71: {  	s16 =	rddreg [dreg:$0xb]  }
0x72: {  	[spmem:s2] =	stream.indirect.scatter.add.f32 [tilespmem:s15], [sflag:$0x1], $0x10, s4, s21, $0xb8;
	[tilespmem:$0x1FDA0] =	vst v63  }
0x73: {  	s17 =	rddreg [dreg:$0xa]  }
0x74: {  	[spmem:s2] =	stream.indirect.scatter.add.f32 [tilespmem:s16], [sflag:$0x1], $0x10, s17, s21, $0xb8;
	[tilespmem:$0x1FDA0] =	vst v63  }
0x75: {  	_ = 	snop  }
0x76: {  	[spmem:s2] =	stream.indirect.scatter.add.f32 [tilespmem:s7], [sflag:$0x1], $0x10, s6, s21, $0xb8;
	[tilespmem:$0x1FDA0] =	vst v63  }
0x77: {  	_ =	swait.ge [sflag:s20], $0x800  }
0x78: {  	[sflag:s20] =	ssyncset.done $0x0  }
0x79: {  	[sflag:s20] =	ssyncadd.s32 $0xFFFFF800  }
0x7a: {  	_ =	swait.ge [sflag:s20], $0x800  }
0x7b: {  	[sflag:s20] =	ssyncset.done $0x0  }
0x7c: {  	[sflag:s20] =	ssyncadd.s32 $0xFFFFF800  }
0x7d: {  	_ =	swait.ge [sflag:s20], $0x800  }
0x7e: {  	[sflag:s20] =	ssyncset.done $0x0  }
0x7f: {  	[sflag:s20] =	ssyncadd.s32 $0xFFFFF800  }
0x80: {  	_ =	swait.ge [sflag:s20], $0x800  }
0x81: {  	[sflag:s20] =	ssyncset.done $0x0  }
0x82: {  	[sflag:s20] =	ssyncadd.s32 $0xFFFFF800  }
0x83: {  	_ =	swait.ge [sflag:s20], $0x800  }
0x84: {  	[sflag:s20] =	ssyncset.done $0x0  }
0x85: {  	[sflag:s20] =	ssyncadd.s32 $0xFFFFF800  }
0x86: {  	_ =	swait.ge [sflag:s20], $0x800  }
0x87: {  	[sflag:s20] =	ssyncset.done $0x0  }
0x88: {  	[sflag:s20] =	ssyncadd.s32 $0xFFFFF800  }
0x89: {  	_ =	swait.ge [sflag:s20], $0x800  }
0x8a: {  	[sflag:s20] =	ssyncset.done $0x0  }
0x8b: {  	[sflag:s20] =	ssyncadd.s32 $0xFFFFF800  }
0x8c: {  	_ =	swait.ge [sflag:s20], $0x800  }
0x8d: {  	[sflag:s20] =	ssyncset.done $0x0  }
0x8e: {  	[sflag:s20] =	ssyncadd.s32 $0xFFFFF800  }
0x8f: {  	_ =	swait.ge [sflag:s20], $0x800  }
0x90: {  	[sflag:s20] =	ssyncset.done $0x0  }
0x91: {  	[sflag:s20] =	ssyncadd.s32 $0xFFFFF800  }
0x92: {  	_ =	swait.ge [sflag:s20], $0x800  }
0x93: {  	[sflag:s20] =	ssyncset.done $0x0  }
0x94: {  	[sflag:s20] =	ssyncadd.s32 $0xFFFFF800  }
0x95: {  	_ =	swait.ge [sflag:s20], $0x800  }
0x96: {  	[sflag:s20] =	ssyncset.done $0x0  }
0x97: {  	[sflag:s20] =	ssyncadd.s32 $0xFFFFF800  }
0x98: {  	s4 =	simm.s32 @!p1 $0x70;
	_ =	swait.ge [sflag:s20], $0x800  }
0x99: {  	s4 =	simm.s32 @p1 $0x69;
	[sflag:s20] =	ssyncset.done $0x0  }
0x9a: {  	p3 =	sne.s32 s4, $0x1;
	[sflag:s20] =	ssyncadd.s32 $0xFFFFF800  }
.Ltmp3:
0x9b: {  	_ =	swait.ge [sflag:s20], $0x800;
	(pc) =	sbr.rel @!p3 .LBB2_5-.Ltmp3, $4  }
0x9c: {  	[sflag:s20] =	ssyncset.done $0x0  }
0x9d: {  	[sflag:s20] =	ssyncadd.s32 $0xFFFFF800  }
0x9e: {  	s15 =	sadd.s32 $0xFFFFFFFF, s4;
	_ =	swait.ge [sflag:s20], $0x800  }
0x9f: {  	s16 =	smov.u32 s8;
	s17 =	smov.u32 s18;
	[sflag:s20] =	ssyncset.done $0x0  }
.LBB2_4:
0xa0: {  	[sflag:s20] =	ssyncadd.s32 $0xFFFFF800;
	s17 =	sadd.s32 $0xE00, s17  }
0xa1: {  	[tilespmem:s3], [sflag:$0x1] =	stream.linear.gather [hbm4b:s17+s3], $0x7000, $0x38;
	[tilespmem:$0x1FDA0] =	vst v63  }
0xa2: {  	s16 =	sadd.s32 $0xE0, s16  }
0xa3: {  	[tilespmem:s19], [sflag:$0x1] =	stream.linear.gather [hbm4b:s16+s3], $0x700, $0x38;
	[tilespmem:$0x1FDA0] =	vst v63  }
0xa4: {  	_ =	swait.ge [sflag:s20], $0x7000  }
0xa5: {  	[sflag:s20] =	ssyncset.done $0x0  }
0xa6: {  	[sflag:s20] =	ssyncadd.s32 $0xFFFF9000  }
0xa7: {  	_ =	swait.ge [sflag:s20], $0x700  }
0xa8: {  	[sflag:s20] =	ssyncset.done $0x0  }
0xa9: {  	[sflag:s20] =	ssyncadd.s32 $0xFFFFF900  }
0xaa: {  	[spmem:s2] =	stream.indirect.scatter.add.f32 [tilespmem:s3], [sflag:$0x1], $0x10, s19, s21, $0xb8;
	[tilespmem:$0x1FDA0] =	vst v63  }
0xab: {  	_ = 	snop  }
0xac: {  	[spmem:s2] =	stream.indirect.scatter.add.f32 [tilespmem:s23], [sflag:$0x1], $0x10, s22, s21, $0xb8;
	[tilespmem:$0x1FDA0] =	vst v63  }
0xad: {  	_ = 	snop  }
0xae: {  	[spmem:s2] =	stream.indirect.scatter.add.f32 [tilespmem:s25], [sflag:$0x1], $0x10, s24, s21, $0xb8;
	[tilespmem:$0x1FDA0] =	vst v63  }
0xaf: {  	_ = 	snop  }
0xb0: {  	[spmem:s2] =	stream.indirect.scatter.add.f32 [tilespmem:s28], [sflag:$0x1], $0x10, s26, s21, $0xb8;
	[tilespmem:$0x1FDA0] =	vst v63  }
0xb1: {  	_ = 	snop  }
0xb2: {  	[spmem:s2] =	stream.indirect.scatter.add.f32 [tilespmem:s30], [sflag:$0x1], $0x10, s29, s21, $0xb8;
	[tilespmem:$0x1FDA0] =	vst v63  }
0xb3: {  	_ = 	snop  }
0xb4: {  	[spmem:s2] =	stream.indirect.scatter.add.f32 [tilespmem:s0], [sflag:$0x1], $0x10, s31, s21, $0xb8;
	[tilespmem:$0x1FDA0] =	vst v63  }
0xb5: {  	_ = 	snop  }
0xb6: {  	[spmem:s2] =	stream.indirect.scatter.add.f32 [tilespmem:s10], [sflag:$0x1], $0x10, s9, s21, $0xb8;
	[tilespmem:$0x1FDA0] =	vst v63  }
0xb7: {  	s4 =	rddreg [dreg:$0xb]  }
0xb8: {  	[spmem:s2] =	stream.indirect.scatter.add.f32 [tilespmem:s12], [sflag:$0x1], $0x10, s11, s21, $0xb8;
	[tilespmem:$0x1FDA0] =	vst v63  }
0xb9: {  	s18 =	rddreg [dreg:$0x9]  }
0xba: {  	[spmem:s2] =	stream.indirect.scatter.add.f32 [tilespmem:s14], [sflag:$0x1], $0x10, s13, s21, $0xb8;
	[tilespmem:$0x1FDA0] =	vst v63  }
0xbb: {  	s8 =	rddreg [dreg:$0x7]  }
0xbc: {  	[spmem:s2] =	stream.indirect.scatter.add.f32 [tilespmem:s5], [sflag:$0x1], $0x10, s1, s21, $0xb8;
	[tilespmem:$0x1FDA0] =	vst v63  }
0xbd: {  	s22 =	rddreg [dreg:$0x6]  }
0xbe: {  	[spmem:s2] =	stream.indirect.scatter.add.f32 [tilespmem:s8], [sflag:$0x1], $0x10, s22, s21, $0xb8;
	[tilespmem:$0x1FDA0] =	vst v63  }
0xbf: {  	s23 =	rddreg [dreg:$0x8]  }
0xc0: {  	[spmem:s2] =	stream.indirect.scatter.add.f32 [tilespmem:s18], [sflag:$0x1], $0x10, s23, s21, $0xb8;
	[tilespmem:$0x1FDA0] =	vst v63  }
0xc1: {  	s8 =	rddreg [dreg:$0xa]  }
0xc2: {  	[spmem:s2] =	stream.indirect.scatter.add.f32 [tilespmem:s4], [sflag:$0x1], $0x10, s8, s21, $0xb8;
	[tilespmem:$0x1FDA0] =	vst v63  }
0xc3: {  	_ = 	snop  }
0xc4: {  	[spmem:s2] =	stream.indirect.scatter.add.f32 [tilespmem:s7], [sflag:$0x1], $0x10, s6, s21, $0xb8;
	[tilespmem:$0x1FDA0] =	vst v63  }
0xc5: {  	_ =	swait.ge [sflag:s20], $0x800  }
0xc6: {  	[sflag:s20] =	ssyncset.done $0x0  }
0xc7: {  	[sflag:s20] =	ssyncadd.s32 $0xFFFFF800  }
0xc8: {  	_ =	swait.ge [sflag:s20], $0x800  }
0xc9: {  	[sflag:s20] =	ssyncset.done $0x0  }
0xca: {  	[sflag:s20] =	ssyncadd.s32 $0xFFFFF800  }
0xcb: {  	_ =	swait.ge [sflag:s20], $0x800  }
0xcc: {  	[sflag:s20] =	ssyncset.done $0x0  }
0xcd: {  	[sflag:s20] =	ssyncadd.s32 $0xFFFFF800  }
0xce: {  	_ =	swait.ge [sflag:s20], $0x800  }
0xcf: {  	[sflag:s20] =	ssyncset.done $0x0  }
0xd0: {  	[sflag:s20] =	ssyncadd.s32 $0xFFFFF800  }
0xd1: {  	_ =	swait.ge [sflag:s20], $0x800  }
0xd2: {  	[sflag:s20] =	ssyncset.done $0x0  }
0xd3: {  	[sflag:s20] =	ssyncadd.s32 $0xFFFFF800  }
0xd4: {  	_ =	swait.ge [sflag:s20], $0x800  }
0xd5: {  	[sflag:s20] =	ssyncset.done $0x0  }
0xd6: {  	[sflag:s20] =	ssyncadd.s32 $0xFFFFF800  }
0xd7: {  	_ =	swait.ge [sflag:s20], $0x800  }
0xd8: {  	[sflag:s20] =	ssyncset.done $0x0  }
0xd9: {  	[sflag:s20] =	ssyncadd.s32 $0xFFFFF800  }
0xda: {  	_ =	swait.ge [sflag:s20], $0x800  }
0xdb: {  	[sflag:s20] =	ssyncset.done $0x0  }
0xdc: {  	[sflag:s20] =	ssyncadd.s32 $0xFFFFF800  }
0xdd: {  	_ =	swait.ge [sflag:s20], $0x800  }
0xde: {  	[sflag:s20] =	ssyncset.done $0x0  }
0xdf: {  	[sflag:s20] =	ssyncadd.s32 $0xFFFFF800  }
0xe0: {  	_ =	swait.ge [sflag:s20], $0x800  }
0xe1: {  	[sflag:s20] =	ssyncset.done $0x0  }
0xe2: {  	[sflag:s20] =	ssyncadd.s32 $0xFFFFF800  }
0xe3: {  	_ =	swait.ge [sflag:s20], $0x800  }
0xe4: {  	[sflag:s20] =	ssyncset.done $0x0  }
0xe5: {  	[sflag:s20] =	ssyncadd.s32 $0xFFFFF800  }
0xe6: {  	_ =	swait.ge [sflag:s20], $0x800  }
0xe7: {  	[sflag:s20] =	ssyncset.done $0x0  }
0xe8: {  	p3 =	sne.s32 s15, $0x1;
	[sflag:s20] =	ssyncadd.s32 $0xFFFFF800  }
.Ltmp4:
0xe9: {  	_ =	swait.ge [sflag:s20], $0x800;
	(pc) =	sbr.rel @p3 .LBB2_4-.Ltmp4, $4  }
0xea: {  	[sflag:s20] =	ssyncset.done $0x0  }
0xeb: {  	[sflag:s20] =	ssyncadd.s32 $0xFFFFF800  }
0xec: {  	s15 =	sadd.s32 $0xFFFFFFFF, s15;
	_ =	swait.ge [sflag:s20], $0x800  }
0xed: {  	s22 =	simm.s32 $0x7080;
	s23 =	simm.s32 $0x800;
	[sflag:s20] =	ssyncset.done $0x0  }
.LBB2_5:
.Ltmp5:
0xee: {  	(pc) =	sbr.rel @p2 .LBB2_7-.Ltmp5, $3  }
0xef: {  	_ =	sdelay $0x1  }
0xf0: {  	s17 =	rddreg [dreg:$0xc]  }
0xf1: {  	[sflag:s20] =	ssyncadd.s32 $0xFFFFF800;
	s16 =	sshrl.u32 @p0 s17, $0x3;
	s15 =	sshrl.u32 @!p0 s17, $0x3  }
0xf2: {  	s4 =	rddreg [dreg:$0x13]  }
0xf3: {  	[tilespmem:s3], [sflag:$0x1] =	stream.linear.gather [hbm4b:s4+s3], $0x5000, $0x38;
	[tilespmem:$0x1FDA0] =	vst v63  }
0xf4: {  	s18 =	rddreg [dreg:$0x14]  }
0xf5: {  	[tilespmem:s19], [sflag:$0x1] =	stream.linear.gather [hbm4b:s18+s3], $0x500, $0x38;
	[tilespmem:$0x1FDA0] =	vst v63  }
0xf6: {  	_ =	swait.ge [sflag:s20], $0x5000  }
0xf7: {  	[sflag:s20] =	ssyncset.done $0x0  }
0xf8: {  	[sflag:s20] =	ssyncadd.s32 $0xFFFFB000  }
0xf9: {  	_ =	swait.ge [sflag:s20], $0x500  }
0xfa: {  	[sflag:s20] =	ssyncset.done $0x0  }
0xfb: {  	[sflag:s20] =	ssyncadd.s32 $0xFFFFFB00  }
0xfc: {  	[spmem:s2] =	stream.indirect.scatter.add.f32 [tilespmem:s3], [sflag:$0x1], $0x10, s19, s21, $0xb8;
	[tilespmem:$0x1FDA0] =	vst v63  }
0xfd: {  	_ = 	snop  }
0xfe: {  	[spmem:s2] =	stream.indirect.scatter.add.f32 [tilespmem:s23], [sflag:$0x1], $0x10, s22, s21, $0xb8;
	[tilespmem:$0x1FDA0] =	vst v63  }
0xff: {  	_ = 	snop  }
0x100: {  	[spmem:s2] =	stream.indirect.scatter.add.f32 [tilespmem:s25], [sflag:$0x1], $0x10, s24, s21, $0xb8;
	[tilespmem:$0x1FDA0] =	vst v63  }
0x101: {  	_ = 	snop  }
0x102: {  	[spmem:s2] =	stream.indirect.scatter.add.f32 [tilespmem:s28], [sflag:$0x1], $0x10, s26, s21, $0xb8;
	[tilespmem:$0x1FDA0] =	vst v63  }
0x103: {  	_ = 	snop  }
0x104: {  	[spmem:s2] =	stream.indirect.scatter.add.f32 [tilespmem:s30], [sflag:$0x1], $0x10, s29, s21, $0xb8;
	[tilespmem:$0x1FDA0] =	vst v63  }
0x105: {  	_ = 	snop  }
0x106: {  	[spmem:s2] =	stream.indirect.scatter.add.f32 [tilespmem:s0], [sflag:$0x1], $0x10, s31, s21, $0xb8;
	[tilespmem:$0x1FDA0] =	vst v63  }
0x107: {  	_ = 	snop  }
0x108: {  	[spmem:s2] =	stream.indirect.scatter.add.f32 [tilespmem:s10], [sflag:$0x1], $0x10, s9, s21, $0xb8;
	[tilespmem:$0x1FDA0] =	vst v63  }
0x109: {  	_ = 	snop  }
0x10a: {  	[spmem:s2] =	stream.indirect.scatter.add.f32 [tilespmem:s12], [sflag:$0x1], $0x10, s11, s21, $0xb8;
	[tilespmem:$0x1FDA0] =	vst v63  }
0x10b: {  	_ = 	snop  }
0x10c: {  	[spmem:s2] =	stream.indirect.scatter.add.f32 [tilespmem:s14], [sflag:$0x1], $0x10, s13, s21, $0xb8;
	[tilespmem:$0x1FDA0] =	vst v63  }
0x10d: {  	_ = 	snop  }
0x10e: {  	[spmem:s2] =	stream.indirect.scatter.add.f32 [tilespmem:s5], [sflag:$0x1], $0x10, s1, s21, $0xb8;
	[tilespmem:$0x1FDA0] =	vst v63  }
0x10f: {  	_ =	swait.ge [sflag:s20], $0x800  }
0x110: {  	[sflag:s20] =	ssyncset.done $0x0  }
0x111: {  	[sflag:s20] =	ssyncadd.s32 $0xFFFFF800  }
0x112: {  	_ =	swait.ge [sflag:s20], $0x800  }
0x113: {  	[sflag:s20] =	ssyncset.done $0x0  }
0x114: {  	[sflag:s20] =	ssyncadd.s32 $0xFFFFF800  }
0x115: {  	_ =	swait.ge [sflag:s20], $0x800  }
0x116: {  	[sflag:s20] =	ssyncset.done $0x0  }
0x117: {  	[sflag:s20] =	ssyncadd.s32 $0xFFFFF800  }
0x118: {  	_ =	swait.ge [sflag:s20], $0x800  }
0x119: {  	[sflag:s20] =	ssyncset.done $0x0  }
0x11a: {  	[sflag:s20] =	ssyncadd.s32 $0xFFFFF800  }
0x11b: {  	_ =	swait.ge [sflag:s20], $0x800  }
0x11c: {  	[sflag:s20] =	ssyncset.done $0x0  }
0x11d: {  	[sflag:s20] =	ssyncadd.s32 $0xFFFFF800  }
0x11e: {  	_ =	swait.ge [sflag:s20], $0x800  }
0x11f: {  	[sflag:s20] =	ssyncset.done $0x0  }
0x120: {  	[sflag:s20] =	ssyncadd.s32 $0xFFFFF800  }
0x121: {  	_ =	swait.ge [sflag:s20], $0x800  }
0x122: {  	[sflag:s20] =	ssyncset.done $0x0  }
0x123: {  	[sflag:s20] =	ssyncadd.s32 $0xFFFFF800  }
0x124: {  	_ =	swait.ge [sflag:s20], $0x800  }
0x125: {  	[sflag:s20] =	ssyncset.done $0x0  }
0x126: {  	[sflag:s20] =	ssyncadd.s32 $0xFFFFF800  }
0x127: {  	_ =	swait.ge [sflag:s20], $0x800  }
0x128: {  	[sflag:s20] =	ssyncset.done $0x0  }
0x129: {  	[sflag:s20] =	ssyncadd.s32 $0xFFFFF800  }
0x12a: {  	_ =	swait.ge [sflag:s20], $0x800  }
0x12b: {  	[sflag:s20] =	ssyncset.done $0x0  }
0x12c: {  	[sflag:s20] =	ssyncadd.s32 $0xFFFFF800  }
0x12d: {  	[bflag:$0x0] =	sbarrier.arrive $0xFFFF  }
0x12e: {  	s4 =	simm.s32 @p0 $0x1FC2;
	s8 =	rddreg [dreg:$0x16]  }
0x12f: {  	[hbm:s8], [sflag:s4] =	dma.local @p0 [spmem:s16], $0x3020  }
0x130: {  	s4 =	simm.s32 @p0 $0x2  }
0x131: {  	_ =	swait.ge @p0 [sflag:s4], $0x3020  }
0x132: {  	[sflag:s4] =	ssyncset.done @p0 $0x0  }
0x133: {  	s8 =	rddreg [dreg:$0x15];
	[sflag:s4] =	ssyncadd.s32 @p0 $0xFFFFCFE0;
	s4 =	simm.s32 @!p0 $0x1FC2  }
0x134: {  	[hbm:s8], [sflag:s4] =	dma.local @!p0 [spmem:s15], $0x3020  }
.Ltmp6:
0x135: {  	_ = 	snop;
	(pc) =	sbr.rel .LBB2_8-.Ltmp6, $4  }
0x136: {  	s4 =	simm.s32 @!p0 $0x2  }
0x137: {  	_ =	swait.ge @!p0 [sflag:s4], $0x3020  }
0x138: {  	[sflag:s4] =	ssyncset.done @!p0 $0x0  }
0x139: {  	s8 =	rddreg [dreg:$0x1a];
	[sflag:s4] =	ssyncadd.s32 @!p0 $0xFFFFCFE0  }
.LBB2_9:
0x13a: {  	_ =	sfence.sel $0x180000  }
0x13b: {  	[bflag:$0x0] =	sbarrier.arrive $0xFFFF  }
0x13c: {  	_ =	strace $0x90000047  }
0x13d: {  	s0 =	stileid.u32;
	[bflag:$0x2] =	sbarrier.arrive $0xFFFF  }
0x13e: {  	p0 =	sne.s32 s0, $0x0;
	s0 =	rddreg [dreg:$0x5]  }
0x13f: {  	s0 =	sadd.s32 @!p0 $0x100000, s0  }
0x140: {  	[sflag:s0] =	ssyncadd.tile.s32 @!p0 $0x1;
	_ =	shalt  }
.Lfunc_end2:
_tile_overlayer_lowered:
.L_overlay_start_2:
0x141: {  	(tag) =	ssettag $0x2  }
0x142: {  	s0 =	rddreg [dreg:$0x0];
	s2 =	stileid.u32  }
0x143: {  	s1 =	rddreg [dreg:$0x1];
	p0 =	sne.s32 s2, $0x0  }
0x144: {  	s3 =	rddreg [dreg:$0x2];
	[bflag:$0x3] =	sbarrier.arrive $0xFFFF;
	s2 =	simm.s32 @!p0 $0x1C02  }
0x145: {  	[timem:s3], [sflag:s2] =	dma.local @!p0 [hbm:s0], s1  }
0x146: {  	s0 =	simm.s32 @!p0 $0x2  }
0x147: {  	_ =	swait.ge @!p0 [sflag:s0], s1  }
0x148: {  	s1 =	ssub.s32 @!p0 $0x0, s1;
	[sflag:s0] =	ssyncset.done @!p0 $0x0  }
0x149: {  	[sflag:s0] =	ssyncadd.s32 @!p0 s1  }
0x14a: {  	[bflag:$0x3] =	sbarrier.arrive $0xFFFF  }
0x14b: {  	_ =	shalt  }

</sc_bundles>
